<compile_context>
chip_gen: v7x
topology: tpu7x:2x2x1
jax: 0.10.2.dev20260603
libtpu: 0.0.44.dev20260713+nightly
codegen_flags: <defaults>
</compile_context>

<pallas_src>
import functools

import jax
import jax.numpy as jnp
from jax import lax
from jax.experimental import pallas as pl
from jax.experimental.pallas import tpu as pltpu
from jax.experimental.pallas import tpu_sc as plsc

N = 10000
E = 320000
D = 128
H = 128

NC = 2
NS = 16
NW = NC * NS
CHUNK = 128
CPT = 80
E_PAD = NW * CPT * CHUNK
N_PAD = 10240
RPT = N_PAD // NS
BLK = 512
GRID = N_PAD // BLK

_mesh = plsc.VectorSubcoreMesh(
    core_axis_name="c", subcore_axis_name="s", num_cores=NC, num_subcores=NS)



@functools.partial(
    pl.kernel,
    out_type=jax.ShapeDtypeStruct((NC, N_PAD), jnp.float32),
    mesh=_mesh,
    scratch_types=[
        pltpu.VMEM_SHARED((N_PAD,), jnp.float32),
        pltpu.VMEM((CPT, CHUNK), jnp.int32),
        pltpu.VMEM((CHUNK,), jnp.float32),
    ],
)
def _deg_kernel(dst_hbm, zeros1_hbm, deg_hbm, acc, idx, ones):
    c = lax.axis_index("c")
    s = lax.axis_index("s")
    wid = c * NS + s
    pltpu.sync_copy(zeros1_hbm.at[pl.ds(s * RPT, RPT)],
                    acc.at[pl.ds(s * RPT, RPT)])
    pltpu.sync_copy(dst_hbm.at[pl.ds(wid * CPT, CPT)], idx)
    for j in range(CHUNK // 16):
        ones[pl.ds(j * 16, 16)] = jnp.ones((16,), jnp.float32)
    plsc.subcore_barrier()

    def body(k, carry):
        pltpu.sync_copy(ones, acc.at[idx.at[k]], add=True)
        return carry

    lax.fori_loop(0, CPT, body, 0)
    plsc.subcore_barrier()
    pltpu.sync_copy(acc.at[pl.ds(s * RPT, RPT)],
                    deg_hbm.at[c, pl.ds(s * RPT, RPT)])


GRP = 8
NGRP = CPT // GRP


@functools.partial(
    pl.kernel,
    out_type=jax.ShapeDtypeStruct((NC, N_PAD, H), jnp.float32),
    mesh=_mesh,
    scratch_types=[
        pltpu.VMEM_SHARED((N_PAD, H), jnp.float32),
        pltpu.VMEM((2, GRP, CHUNK), jnp.int32),
        pltpu.VMEM((2, GRP, CHUNK), jnp.int32),
        pltpu.VMEM((2, CHUNK, H), jnp.float32),
        pltpu.SemaphoreType.DMA,
        pltpu.SemaphoreType.DMA,
    ],
)
def _agg_kernel(y_hbm, src_hbm, dst_hbm, zrows_hbm, out_hbm,
                acc, idxs, idxd, rows, gsem, isem):
    c = lax.axis_index("c")
    s = lax.axis_index("s")
    wid = c * NS + s
    base = wid * CPT
    pltpu.sync_copy(zrows_hbm, acc.at[pl.ds(s * RPT, RPT)])
    pltpu.sync_copy(src_hbm.at[pl.ds(base, GRP)], idxs.at[0])
    pltpu.sync_copy(dst_hbm.at[pl.ds(base, GRP)], idxd.at[0])
    plsc.subcore_barrier()

    pltpu.async_copy(y_hbm.at[idxs.at[0].at[0]], rows.at[0], gsem)

    def body(k, carry):
        g = k // GRP
        j = k - g * GRP
        gb = lax.rem(g, 2)
        kn = k + 1
        gn = kn // GRP
        jn = kn - gn * GRP
        gbn = lax.rem(gn, 2)

        @pl.when(jnp.logical_and(j == 0, g + 1 < NGRP))
        def _():
            off = base + (g + 1) * GRP
            pltpu.async_copy(src_hbm.at[pl.ds(off, GRP)], idxs.at[1 - gb],
                             isem)
            pltpu.async_copy(dst_hbm.at[pl.ds(off, GRP)], idxd.at[1 - gb],
                             isem)

        @pl.when(jnp.logical_and(j == GRP - 1, g + 1 < NGRP))
        def _():
            off = base + (g + 1) * GRP
            pltpu.make_async_copy(src_hbm.at[pl.ds(off, GRP)],
                                  idxs.at[1 - gb], isem).wait()
            pltpu.make_async_copy(dst_hbm.at[pl.ds(off, GRP)],
                                  idxd.at[1 - gb], isem).wait()

        @pl.when(kn < CPT)
        def _():
            pltpu.async_copy(y_hbm.at[idxs.at[gbn].at[jn]],
                             rows.at[lax.rem(kn, 2)], gsem)

        b = lax.rem(k, 2)
        pltpu.make_async_copy(y_hbm.at[idxs.at[gb].at[j]],
                              rows.at[b], gsem).wait()
        pltpu.sync_copy(rows.at[b], acc.at[idxd.at[gb].at[j]], add=True)
        return carry

    lax.fori_loop(0, CPT, body, 0)
    plsc.subcore_barrier()
    pltpu.sync_copy(acc.at[pl.ds(s * RPT, RPT)],
                    out_hbm.at[c, pl.ds(s * RPT, RPT)])



def _lrelu(v):
    return jnp.where(v > 0, v, 0.01 * v)


def _wgen_body(bihr, bihz, bihn, bhhr, bhhz, bhhn, wtT, wtb, w_out):
    z = jax.nn.sigmoid(bihz[...] + bhhz[...])
    r = jax.nn.sigmoid(bihr[...] + bhhr[...])
    n = jnp.tanh(bihn[...] + r * bhhn[...])
    mem = (1.0 - z) * n
    w_out[...] = jnp.dot(mem, wtT[...],
                         preferred_element_type=jnp.float32) + wtb[...]


def _stage_a_body(x_ref, w1t, b1, w2t, b2, wg1t, degT, y1_ref, dinv_ref):
    deg = jnp.sum(degT[...], axis=1, keepdims=True) + 1.0
    dv = lax.rsqrt(deg)
    h = _lrelu(jnp.dot(x_ref[...], w1t[...],
                       preferred_element_type=jnp.float32) + b1[...])
    h = _lrelu(jnp.dot(h, w2t[...],
                       preferred_element_type=jnp.float32) + b2[...])
    y1_ref[...] = dv * jnp.dot(h, wg1t[...],
                               preferred_element_type=jnp.float32)
    dinv_ref[...] = dv


def _stage_c_body(y1_ref, sa, sb, dinv_ref, gb, wg2t, y2_ref):
    dv = dinv_ref[...]
    stot = sa[...] + sb[...] + y1_ref[...]
    h1 = _lrelu(dv * stot + gb[...])
    y2_ref[...] = dv * jnp.dot(h1, wg2t[...],
                               preferred_element_type=jnp.float32)


def _stage_e_body(y2_ref, sa, sb, dinv_ref, gb, wpt, bp, wat, ba,
                  h2_ref, out_ref, an_ref):
    dv = dinv_ref[...]
    stot = sa[...] + sb[...] + y2_ref[...]
    h2 = _lrelu(dv * stot + gb[...])
    h2_ref[...] = h2
    wsum = jnp.sum(wpt[...], axis=1, keepdims=True)
    out_ref[...] = jnp.dot(h2, wsum,
                           preferred_element_type=jnp.float32) + jnp.sum(bp[...])
    an_ref[...] = jnp.dot(h2, wat[...],
                          preferred_element_type=jnp.float32) + ba[...]


def _row_spec(w):
    return pl.BlockSpec((BLK, w), lambda i: (i, 0))


def _full_spec(shape):
    return pl.BlockSpec(shape, lambda i: tuple(0 for _ in shape))


def kernel(x, edge_index, W1, b1, W2, b2,
           gru1_Wih, gru1_Whh, gru1_bih, gru1_bhh, wt1_W, wt1_b, gcn1_b,
           gru2_Wih, gru2_Whh, gru2_bih, gru2_bhh, wt2_W, wt2_b, gcn2_b,
           Wp, bp, Wa, ba):
    f32 = jnp.float32

    src = edge_index[0]
    dst = edge_index[1]
    npad = E_PAD - E
    pad_idx = (N + jnp.arange(npad, dtype=src.dtype) % (N_PAD - N))
    src_p = jnp.concatenate([src, pad_idx]).reshape(NW * CPT, CHUNK)
    dst_p = jnp.concatenate([dst, pad_idx]).reshape(NW * CPT, CHUNK)

    x_p = jnp.pad(x, ((0, N_PAD - N), (0, 0)))
    zeros1 = jnp.zeros((N_PAD,), f32)
    zrows = jnp.zeros((RPT, H), f32)

    deg2 = _deg_kernel(dst_p, zeros1)
    degT = deg2.T

    def split3(b):
        return (b[0:16].reshape(1, 16), b[16:32].reshape(1, 16),
                b[32:48].reshape(1, 16))

    b1r, b1z, b1n = split3(gru1_bih)
    h1r, h1z, h1n = split3(gru1_bhh)
    b2r, b2z, b2n = split3(gru2_bih)
    h2r, h2z, h2n = split3(gru2_bhh)

    wgen = pl.pallas_call(
        _wgen_body,
        out_shape=jax.ShapeDtypeStruct((1, H * H), f32),
    )
    w1_flat = wgen(b1r, b1z, b1n, h1r, h1z, h1n, wt1_W.T, wt1_b.reshape(1, -1))
    w2_flat = wgen(b2r, b2z, b2n, h2r, h2z, h2n, wt2_W.T, wt2_b.reshape(1, -1))
    wg1t = w1_flat.reshape(H, H).T
    wg2t = w2_flat.reshape(H, H).T

    y1, dinv = pl.pallas_call(
        _stage_a_body,
        grid=(GRID,),
        in_specs=[
            _row_spec(D),
            _full_spec((D, 256)), _full_spec((1, 256)),
            _full_spec((256, H)), _full_spec((1, H)),
            _full_spec((H, H)),
            pl.BlockSpec((BLK, NC), lambda i: (i, 0)),
        ],
        out_specs=[_row_spec(H), pl.BlockSpec((BLK, 1), lambda i: (i, 0))],
        out_shape=[jax.ShapeDtypeStruct((N_PAD, H), f32),
                   jax.ShapeDtypeStruct((N_PAD, 1), f32)],
    )(x_p, W1.T, b1.reshape(1, -1), W2.T, b2.reshape(1, -1), wg1t, degT)

    s1 = _agg_kernel(y1, src_p, dst_p, zrows)

    y2 = pl.pallas_call(
        _stage_c_body,
        grid=(GRID,),
        in_specs=[
            _row_spec(H), _row_spec(H), _row_spec(H),
            pl.BlockSpec((BLK, 1), lambda i: (i, 0)),
            _full_spec((1, H)), _full_spec((H, H)),
        ],
        out_specs=_row_spec(H),
        out_shape=jax.ShapeDtypeStruct((N_PAD, H), f32),
    )(y1, s1[0], s1[1], dinv, gcn1_b.reshape(1, -1), wg2t)

    s2 = _agg_kernel(y2, src_p, dst_p, zrows)

    h2, out_c, an_c = pl.pallas_call(
        _stage_e_body,
        grid=(GRID,),
        in_specs=[
            _row_spec(H), _row_spec(H), _row_spec(H),
            pl.BlockSpec((BLK, 1), lambda i: (i, 0)),
            _full_spec((1, H)),
            _full_spec((H, 2)), _full_spec((1, 2)),
            _full_spec((H, 1)), _full_spec((1, 1)),
        ],
        out_specs=[_row_spec(H),
                   pl.BlockSpec((BLK, 1), lambda i: (i, 0)),
                   pl.BlockSpec((BLK, 1), lambda i: (i, 0))],
        out_shape=[jax.ShapeDtypeStruct((N_PAD, H), f32),
                   jax.ShapeDtypeStruct((N_PAD, 1), f32),
                   jax.ShapeDtypeStruct((N_PAD, 1), f32)],
    )(y2, s2[0], s2[1], dinv, gcn2_b.reshape(1, -1),
      Wp.T, bp.reshape(1, -1), Wa.T, ba.reshape(1, 1))

    return (out_c[:N, 0], an_c[:N, 0], h2[:N])

# --- scband reference (transcript-rebuilt; emitter-appended) ---
"""Pipeline reference for scband-node-dy-fraud-net-44117904065164 (READ-ONLY COPY).

The authoritative reference and input builder live on the scoring server;
editing this copy changes nothing except your own understanding.
"""

import jax, jax.numpy as jnp
import numpy as np

N = 10000
E = 320000
D = 128
H = 128
M = 16
OUT = 2


def _gru_zero(Wih, Whh, bih, bhh):
    # PyTorch GRU single step with zero input and zero initial hidden state
    m = bih.shape[0] // 3
    x = jnp.zeros((m,), jnp.float32)
    h = jnp.zeros((m,), jnp.float32)
    gi = x @ Wih.T + bih
    gh = h @ Whh.T + bhh
    i_r, i_z, i_n = gi[:m], gi[m:2 * m], gi[2 * m:]
    h_r, h_z, h_n = gh[:m], gh[m:2 * m], gh[2 * m:]
    r = jax.nn.sigmoid(i_r + h_r)
    z = jax.nn.sigmoid(i_z + h_z)
    n = jnp.tanh(i_n + r * h_n)
    return (1.0 - z) * n + z * h


def _evolve_weight(Wih, Whh, bih, bhh, wtW, wtb):
    mem = _gru_zero(Wih, Whh, bih, bhh)
    w = mem @ wtW.T + wtb
    # torch code detaches the generated weight before assigning it to the conv
    return jax.lax.stop_gradient(w.reshape(H, H))


def _gcn_conv(x, edge_index, W, b):
    # PyG GCNConv: lin (no bias) -> gcn_norm with self loops -> scatter-add at dst -> + bias
    n = x.shape[0]
    loop = jnp.arange(n, dtype=edge_index.dtype)
    src = jnp.concatenate([edge_index[0], loop])
    dst = jnp.concatenate([edge_index[1], loop])
    xw = x @ W.T
    ones = jnp.ones(dst.shape[0], dtype=x.dtype)
    deg = jax.ops.segment_sum(ones, dst, num_segments=n)
    dinv = jnp.where(deg > 0, deg ** -0.5, 0.0)
    norm = dinv[src] * dinv[dst]
    out = jax.ops.segment_sum(norm[:, None] * xw[src], dst, num_segments=n)
    return out + b


def setup_inputs(seed: int = 0) -> dict:
    key = jax.random.key(seed)
    ks = jax.random.split(key, 24)
    s = 0.05
    inp = {}
    inp['x'] = jax.random.normal(ks[0], (N, D), dtype=jnp.float32)
    inp['edge_index'] = jax.random.randint(ks[1], (2, E), 0, N, dtype=jnp.int32)
    inp['W1'] = jax.random.normal(ks[2], (256, D), dtype=jnp.float32) * s
    inp['b1'] = jnp.zeros((256,), jnp.float32)
    inp['W2'] = jax.random.normal(ks[3], (H, 256), dtype=jnp.float32) * s
    inp['b2'] = jnp.zeros((H,), jnp.float32)
    inp['gru1_Wih'] = jax.random.normal(ks[4], (3 * M, M), dtype=jnp.float32) * s
    inp['gru1_Whh'] = jax.random.normal(ks[5], (3 * M, M), dtype=jnp.float32) * s
    inp['gru1_bih'] = jax.random.normal(ks[6], (3 * M,), dtype=jnp.float32) * s
    inp['gru1_bhh'] = jax.random.normal(ks[7], (3 * M,), dtype=jnp.float32) * s
    inp['wt1_W'] = jax.random.normal(ks[8], (H * H, M), dtype=jnp.float32) * s
    inp['wt1_b'] = jax.random.normal(ks[9], (H * H,), dtype=jnp.float32) * s
    inp['gcn1_b'] = jnp.zeros((H,), jnp.float32)
    inp['gru2_Wih'] = jax.random.normal(ks[10], (3 * M, M), dtype=jnp.float32) * s
    inp['gru2_Whh'] = jax.random.normal(ks[11], (3 * M, M), dtype=jnp.float32) * s
    inp['gru2_bih'] = jax.random.normal(ks[12], (3 * M,), dtype=jnp.float32) * s
    inp['gru2_bhh'] = jax.random.normal(ks[13], (3 * M,), dtype=jnp.float32) * s
    inp['wt2_W'] = jax.random.normal(ks[14], (H * H, M), dtype=jnp.float32) * s
    inp['wt2_b'] = jax.random.normal(ks[15], (H * H,), dtype=jnp.float32) * s
    inp['gcn2_b'] = jnp.zeros((H,), jnp.float32)
    inp['Wp'] = jax.random.normal(ks[16], (OUT, H), dtype=jnp.float32) * s
    inp['bp'] = jnp.zeros((OUT,), jnp.float32)
    inp['Wa'] = jax.random.normal(ks[17], (1, H), dtype=jnp.float32) * s
    inp['ba'] = jnp.zeros((1,), jnp.float32)
    return inp


def reference(x, edge_index, W1, b1, W2, b2,
              gru1_Wih, gru1_Whh, gru1_bih, gru1_bhh, wt1_W, wt1_b, gcn1_b,
              gru2_Wih, gru2_Whh, gru2_bih, gru2_bhh, wt2_W, wt2_b, gcn2_b,
              Wp, bp, Wa, ba):
    h = jax.nn.leaky_relu(x @ W1.T + b1, 0.01)
    h = jax.nn.leaky_relu(h @ W2.T + b2, 0.01)
    Wg1 = _evolve_weight(gru1_Wih, gru1_Whh, gru1_bih, gru1_bhh, wt1_W, wt1_b)
    h = jax.nn.leaky_relu(_gcn_conv(h, edge_index, Wg1, gcn1_b), 0.01)
    Wg2 = _evolve_weight(gru2_Wih, gru2_Whh, gru2_bih, gru2_bhh, wt2_W, wt2_b)
    h = jax.nn.leaky_relu(_gcn_conv(h, edge_index, Wg2, gcn2_b), 0.01)
    h_hat = h  # dropout p=0.0 is a no-op
    logits = h_hat @ Wp.T + bp
    out = jnp.sum(logits, axis=-1)
    anomaly = (h_hat @ Wa.T + ba)[:, 0]
    return (out, anomaly, h_hat)


if False:  # reference __main__ guard neutralized (emitter)
    o = reference(**setup_inputs())
    print([a.shape for a in o])

if __name__ == "__main__":
    import jax
    _d = setup_inputs()
    print(jax.jit(kernel)(*tuple(_d.values())))

</pallas_src>

<mosaic_0001>
#map = affine_map<(d0, d1) -> (0, 0)>
#map1 = affine_map<(d0, d1) -> (0, 0, 0)>
module attributes {stable_mosaic.version = 14 : i64} {
  func.func @_agg_kernel(%arg0: i32, %arg1: i32, %arg2: memref<10240x128xf32, #tpu.memory_space<hbm>>, %arg3: memref<2560x128xi32, #tpu.memory_space<hbm>>, %arg4: memref<2560x128xi32, #tpu.memory_space<hbm>>, %arg5: memref<640x128xf32, #tpu.memory_space<hbm>>, %arg6: memref<2x10240x128xf32, #tpu.memory_space<hbm>>, %arg7: memref<10240x128xf32, #tpu.memory_space<vmem_shared>>, %arg8: memref<2x8x128xi32, #tpu.memory_space<vmem>>, %arg9: memref<2x8x128xi32, #tpu.memory_space<vmem>>, %arg10: memref<2x128x128xf32, #tpu.memory_space<vmem>>, %arg11: memref<!tpu.dma_semaphore, #tpu.memory_space<semaphore_mem>>, %arg12: memref<!tpu.dma_semaphore, #tpu.memory_space<semaphore_mem>>) attributes {dimension_semantics = [#tpu.dimension_semantics<core_parallel>, #tpu.dimension_semantics<subcore_parallel>], iteration_bounds = array<i64: 2, 16>, scalar_prefetch = 0 : i64, scratch_operands = 6 : i64, tpu.core_type = #tpu.core_type<sc_vector_subcore>, window_params = [{transform_indices = #map}, {transform_indices = #map}, {transform_indices = #map}, {transform_indices = #map}, {transform_indices = #map1}]} {
    %mul3A = arith.constant 16 : i32
    %mul3A_0 = arith.muli %arg0, %mul3A : i32
    %add3A = arith.addi %mul3A_0, %arg1 : i32
    %mul3A_1 = arith.constant 80 : i32
    %mul3A_2 = arith.muli %add3A, %mul3A_1 : i32
    %mul3A_3 = arith.constant 640 : i32
    %mul3A_4 = arith.muli %arg1, %mul3A_3 : i32
    "tpu.region"() ({
      %run_scoped3A_32 = tpu.sem_alloc : memref<!tpu.dma_semaphore, #tpu.memory_space<semaphore_mem>>
      %dma_start3A_33 = arith.constant 0 : i32
      %dma_start3A_34 = tpu.memref_slice %arg7[%mul3A_4, %dma_start3A_33] : memref<10240x128xf32, #tpu.memory_space<vmem_shared>> -> memref<640x128xf32, #tpu.memory_space<vmem_shared>>
      tpu.enqueue_dma source(%arg5 : memref<640x128xf32, #tpu.memory_space<hbm>>) target(%dma_start3A_34 : memref<640x128xf32, #tpu.memory_space<vmem_shared>>) target_semaphore(%run_scoped3A_32 : memref<!tpu.dma_semaphore, #tpu.memory_space<semaphore_mem>>)
      %dma_wait3A = arith.constant 0 : i32
      %dma_wait3A_35 = tpu.memref_slice %arg7[%mul3A_4, %dma_wait3A] : memref<10240x128xf32, #tpu.memory_space<vmem_shared>> -> memref<640x128xf32, #tpu.memory_space<vmem_shared>>
      tpu.wait_dma2 semaphore(%run_scoped3A_32 : memref<!tpu.dma_semaphore, #tpu.memory_space<semaphore_mem>>) src(%arg5 : memref<640x128xf32, #tpu.memory_space<hbm>>) dst(%dma_wait3A_35 : memref<640x128xf32, #tpu.memory_space<vmem_shared>>)
      tpu.yield
    }) : () -> ()
    %run_scoped3A = arith.constant 0 : i32
    "tpu.region"() ({
      %run_scoped3A_32 = tpu.sem_alloc : memref<!tpu.dma_semaphore, #tpu.memory_space<semaphore_mem>>
      %dma_start3A_33 = arith.constant 0 : i32
      %dma_start3A_34 = arith.constant 0 : i32
      %dma_start3A_35 = tpu.memref_slice %arg8[%run_scoped3A, %dma_start3A_33, %dma_start3A_34] : memref<2x8x128xi32, #tpu.memory_space<vmem>> -> memref<1x8x128xi32, #tpu.memory_space<vmem>>
      %dma_start3A_36 = tpu.memref_squeeze %dma_start3A_35 : memref<1x8x128xi32, #tpu.memory_space<vmem>> -> memref<8x128xi32, #tpu.memory_space<vmem>>
      %dma_start3A_37 = arith.constant 0 : i32
      %dma_start3A_38 = tpu.memref_slice %arg3[%mul3A_2, %dma_start3A_37] : memref<2560x128xi32, #tpu.memory_space<hbm>> -> memref<8x128xi32, #tpu.memory_space<hbm>>
      %dma_start3A_39 = arith.constant 0 : i32
      %dma_start3A_40 = arith.constant 0 : i32
      %dma_start3A_41 = tpu.memref_slice %arg8[%run_scoped3A, %dma_start3A_39, %dma_start3A_40] : memref<2x8x128xi32, #tpu.memory_space<vmem>> -> memref<1x8x128xi32, #tpu.memory_space<vmem>>
      %dma_start3A_42 = tpu.memref_squeeze %dma_start3A_41 : memref<1x8x128xi32, #tpu.memory_space<vmem>> -> memref<8x128xi32, #tpu.memory_space<vmem>>
      %dma_start3A_43 = arith.constant 0 : i32
      %dma_start3A_44 = tpu.memref_slice %arg3[%mul3A_2, %dma_start3A_43] : memref<2560x128xi32, #tpu.memory_space<hbm>> -> memref<8x128xi32, #tpu.memory_space<hbm>>
      tpu.enqueue_dma source(%dma_start3A_44 : memref<8x128xi32, #tpu.memory_space<hbm>>) target(%dma_start3A_42 : memref<8x128xi32, #tpu.memory_space<vmem>>) target_semaphore(%run_scoped3A_32 : memref<!tpu.dma_semaphore, #tpu.memory_space<semaphore_mem>>)
      %dma_wait3A = arith.constant 0 : i32
      %dma_wait3A_45 = arith.constant 0 : i32
      %dma_wait3A_46 = tpu.memref_slice %arg8[%run_scoped3A, %dma_wait3A, %dma_wait3A_45] : memref<2x8x128xi32, #tpu.memory_space<vmem>> -> memref<1x8x128xi32, #tpu.memory_space<vmem>>
      %dma_wait3A_47 = tpu.memref_squeeze %dma_wait3A_46 : memref<1x8x128xi32, #tpu.memory_space<vmem>> -> memref<8x128xi32, #tpu.memory_space<vmem>>
      %dma_wait3A_48 = arith.constant 0 : i32
      %dma_wait3A_49 = tpu.memref_slice %arg3[%mul3A_2, %dma_wait3A_48] : memref<2560x128xi32, #tpu.memory_space<hbm>> -> memref<8x128xi32, #tpu.memory_space<hbm>>
      %dma_wait3A_50 = arith.constant 0 : i32
      %dma_wait3A_51 = arith.constant 0 : i32
      %dma_wait3A_52 = tpu.memref_slice %arg8[%run_scoped3A, %dma_wait3A_50, %dma_wait3A_51] : memref<2x8x128xi32, #tpu.memory_space<vmem>> -> memref<1x8x128xi32, #tpu.memory_space<vmem>>
      %dma_wait3A_53 = tpu.memref_squeeze %dma_wait3A_52 : memref<1x8x128xi32, #tpu.memory_space<vmem>> -> memref<8x128xi32, #tpu.memory_space<vmem>>
      %dma_wait3A_54 = arith.constant 0 : i32
      %dma_wait3A_55 = tpu.memref_slice %arg3[%mul3A_2, %dma_wait3A_54] : memref<2560x128xi32, #tpu.memory_space<hbm>> -> memref<8x128xi32, #tpu.memory_space<hbm>>
      tpu.wait_dma2 semaphore(%run_scoped3A_32 : memref<!tpu.dma_semaphore, #tpu.memory_space<semaphore_mem>>) src(%dma_wait3A_55 : memref<8x128xi32, #tpu.memory_space<hbm>>) dst(%dma_wait3A_53 : memref<8x128xi32, #tpu.memory_space<vmem>>)
      tpu.yield
    }) : () -> ()
    %run_scoped3A_5 = arith.constant 0 : i32
    "tpu.region"() ({
      %run_scoped3A_32 = tpu.sem_alloc : memref<!tpu.dma_semaphore, #tpu.memory_space<semaphore_mem>>
      %dma_start3A_33 = arith.constant 0 : i32
      %dma_start3A_34 = arith.constant 0 : i32
      %dma_start3A_35 = tpu.memref_slice %arg9[%run_scoped3A_5, %dma_start3A_33, %dma_start3A_34] : memref<2x8x128xi32, #tpu.memory_space<vmem>> -> memref<1x8x128xi32, #tpu.memory_space<vmem>>
      %dma_start3A_36 = tpu.memref_squeeze %dma_start3A_35 : memref<1x8x128xi32, #tpu.memory_space<vmem>> -> memref<8x128xi32, #tpu.memory_space<vmem>>
      %dma_start3A_37 = arith.constant 0 : i32
      %dma_start3A_38 = tpu.memref_slice %arg4[%mul3A_2, %dma_start3A_37] : memref<2560x128xi32, #tpu.memory_space<hbm>> -> memref<8x128xi32, #tpu.memory_space<hbm>>
      %dma_start3A_39 = arith.constant 0 : i32
      %dma_start3A_40 = arith.constant 0 : i32
      %dma_start3A_41 = tpu.memref_slice %arg9[%run_scoped3A_5, %dma_start3A_39, %dma_start3A_40] : memref<2x8x128xi32, #tpu.memory_space<vmem>> -> memref<1x8x128xi32, #tpu.memory_space<vmem>>
      %dma_start3A_42 = tpu.memref_squeeze %dma_start3A_41 : memref<1x8x128xi32, #tpu.memory_space<vmem>> -> memref<8x128xi32, #tpu.memory_space<vmem>>
      %dma_start3A_43 = arith.constant 0 : i32
      %dma_start3A_44 = tpu.memref_slice %arg4[%mul3A_2, %dma_start3A_43] : memref<2560x128xi32, #tpu.memory_space<hbm>> -> memref<8x128xi32, #tpu.memory_space<hbm>>
      tpu.enqueue_dma source(%dma_start3A_44 : memref<8x128xi32, #tpu.memory_space<hbm>>) target(%dma_start3A_42 : memref<8x128xi32, #tpu.memory_space<vmem>>) target_semaphore(%run_scoped3A_32 : memref<!tpu.dma_semaphore, #tpu.memory_space<semaphore_mem>>)
      %dma_wait3A = arith.constant 0 : i32
      %dma_wait3A_45 = arith.constant 0 : i32
      %dma_wait3A_46 = tpu.memref_slice %arg9[%run_scoped3A_5, %dma_wait3A, %dma_wait3A_45] : memref<2x8x128xi32, #tpu.memory_space<vmem>> -> memref<1x8x128xi32, #tpu.memory_space<vmem>>
      %dma_wait3A_47 = tpu.memref_squeeze %dma_wait3A_46 : memref<1x8x128xi32, #tpu.memory_space<vmem>> -> memref<8x128xi32, #tpu.memory_space<vmem>>
      %dma_wait3A_48 = arith.constant 0 : i32
      %dma_wait3A_49 = tpu.memref_slice %arg4[%mul3A_2, %dma_wait3A_48] : memref<2560x128xi32, #tpu.memory_space<hbm>> -> memref<8x128xi32, #tpu.memory_space<hbm>>
      %dma_wait3A_50 = arith.constant 0 : i32
      %dma_wait3A_51 = arith.constant 0 : i32
      %dma_wait3A_52 = tpu.memref_slice %arg9[%run_scoped3A_5, %dma_wait3A_50, %dma_wait3A_51] : memref<2x8x128xi32, #tpu.memory_space<vmem>> -> memref<1x8x128xi32, #tpu.memory_space<vmem>>
      %dma_wait3A_53 = tpu.memref_squeeze %dma_wait3A_52 : memref<1x8x128xi32, #tpu.memory_space<vmem>> -> memref<8x128xi32, #tpu.memory_space<vmem>>
      %dma_wait3A_54 = arith.constant 0 : i32
      %dma_wait3A_55 = tpu.memref_slice %arg4[%mul3A_2, %dma_wait3A_54] : memref<2560x128xi32, #tpu.memory_space<hbm>> -> memref<8x128xi32, #tpu.memory_space<hbm>>
      tpu.wait_dma2 semaphore(%run_scoped3A_32 : memref<!tpu.dma_semaphore, #tpu.memory_space<semaphore_mem>>) src(%dma_wait3A_55 : memref<8x128xi32, #tpu.memory_space<hbm>>) dst(%dma_wait3A_53 : memref<8x128xi32, #tpu.memory_space<vmem>>)
      tpu.yield
    }) : () -> ()
    %barrier3A = arith.constant 0 : index
    tpu.barrier barrier_id(%barrier3A)
    %dma_start3A = arith.constant 0 : i32
    %dma_start3A_6 = arith.constant 0 : i32
    %dma_start3A_7 = arith.constant 0 : i32
    %dma_start3A_8 = arith.constant 0 : i32
    %dma_start3A_9 = arith.constant 0 : i32
    %dma_start3A_10 = tpu.memref_slice %arg10[%dma_start3A_7, %dma_start3A_8, %dma_start3A_9] : memref<2x128x128xf32, #tpu.memory_space<vmem>> -> memref<1x128x128xf32, #tpu.memory_space<vmem>>
    %dma_start3A_11 = tpu.memref_squeeze %dma_start3A_10 : memref<1x128x128xf32, #tpu.memory_space<vmem>> -> memref<128x128xf32, #tpu.memory_space<vmem>>
    %dma_start3A_12 = arith.constant 0 : i32
    %dma_start3A_13 = arith.constant 0 : i32
    %dma_start3A_14 = tpu.memref_slice %arg8[%dma_start3A, %dma_start3A_12, %dma_start3A_13] : memref<2x8x128xi32, #tpu.memory_space<vmem>> -> memref<1x8x128xi32, #tpu.memory_space<vmem>>
    %dma_start3A_15 = tpu.memref_squeeze %dma_start3A_14 : memref<1x8x128xi32, #tpu.memory_space<vmem>> -> memref<8x128xi32, #tpu.memory_space<vmem>>
    %dma_start3A_16 = arith.constant 0 : i32
    %dma_start3A_17 = tpu.memref_slice %dma_start3A_15[%dma_start3A_6, %dma_start3A_16] : memref<8x128xi32, #tpu.memory_space<vmem>> -> memref<1x128xi32, #tpu.memory_space<vmem>>
    %dma_start3A_18 = tpu.memref_squeeze %dma_start3A_17 : memref<1x128xi32, #tpu.memory_space<vmem>> -> memref<128xi32, #tpu.memory_space<vmem>>
    %dma_start3A_19 = arith.constant 0 : i32
    %dma_start3A_20 = arith.constant 0 : i32
    %dma_start3A_21 = tpu.memref_slice %arg2[%dma_start3A_19, %dma_start3A_20] : memref<10240x128xf32, #tpu.memory_space<hbm>> -> memref<10240x128xf32, #tpu.memory_space<hbm>>
    tpu.enqueue_indirect_dma source(%dma_start3A_21 : memref<10240x128xf32, #tpu.memory_space<hbm>>) target(%dma_start3A_11 : memref<128x128xf32, #tpu.memory_space<vmem>>) offsets(%dma_start3A_18 : memref<128xi32, #tpu.memory_space<vmem>>) semaphore(%arg11 : memref<!tpu.dma_semaphore, #tpu.memory_space<semaphore_mem>>)
    %scan3A = arith.constant 0 : i32
    %scan3A_22 = arith.constant 0 : i32
    %scan3A_23 = arith.constant 80 : i32
    %scan3A_24 = arith.addi %scan3A_22, %scan3A_23 : i32
    %scan3A_25 = arith.constant 1 : i32
    scf.for %scan3A_32 = %scan3A_22 to %scan3A_24 step %scan3A_25  : i32 {
      %jit3A = arith.constant 8 : i32
      %div3A = arith.divsi %scan3A_32, %jit3A : i32
      %sign3A = arith.constant 0 : i32
      %sign3A_33 = arith.cmpi sgt, %scan3A_32, %sign3A : i32
      %sign3A_34 = arith.extui %sign3A_33 : i1 to i32
      %sign3A_35 = arith.constant 0 : i32
      %sign3A_36 = arith.cmpi slt, %scan3A_32, %sign3A_35 : i32
      %sign3A_37 = arith.extui %sign3A_36 : i1 to i32
      %sign3A_38 = arith.subi %sign3A_34, %sign3A_37 : i32
      %sign3A_39 = arith.constant 0 : i32
      %sign3A_40 = arith.cmpi sgt, %jit3A, %sign3A_39 : i32
      %sign3A_41 = arith.extui %sign3A_40 : i1 to i32
      %sign3A_42 = arith.constant 0 : i32
      %sign3A_43 = arith.cmpi slt, %jit3A, %sign3A_42 : i32
      %sign3A_44 = arith.extui %sign3A_43 : i1 to i32
      %sign3A_45 = arith.subi %sign3A_41, %sign3A_44 : i32
      %ne3A = arith.cmpi ne, %sign3A_38, %sign3A_45 : i32
      %rem3A = arith.remsi %scan3A_32, %jit3A : i32
      %ne3A_46 = arith.constant 0 : i32
      %ne3A_47 = arith.cmpi ne, %rem3A, %ne3A_46 : i32
      %and3A = arith.andi %ne3A, %ne3A_47 : i1
      %sub3A = arith.constant 1 : i32
      %sub3A_48 = arith.subi %div3A, %sub3A : i32
      %select_n3A = arith.select %and3A, %sub3A_48, %div3A : i32
      %mul3A_49 = arith.constant 8 : i32
      %mul3A_50 = arith.muli %select_n3A, %mul3A_49 : i32
      %sub3A_51 = arith.subi %scan3A_32, %mul3A_50 : i32
      %rem3A_52 = arith.constant 2 : i32
      %rem3A_53 = arith.remsi %select_n3A, %rem3A_52 : i32
      %add3A_54 = arith.constant 1 : i32
      %add3A_55 = arith.addi %scan3A_32, %add3A_54 : i32
      %jit3A_56 = arith.constant 8 : i32
      %div3A_57 = arith.divsi %add3A_55, %jit3A_56 : i32
      %sign3A_58 = arith.constant 0 : i32
      %sign3A_59 = arith.cmpi sgt, %add3A_55, %sign3A_58 : i32
      %sign3A_60 = arith.extui %sign3A_59 : i1 to i32
      %sign3A_61 = arith.constant 0 : i32
      %sign3A_62 = arith.cmpi slt, %add3A_55, %sign3A_61 : i32
      %sign3A_63 = arith.extui %sign3A_62 : i1 to i32
      %sign3A_64 = arith.subi %sign3A_60, %sign3A_63 : i32
      %sign3A_65 = arith.constant 0 : i32
      %sign3A_66 = arith.cmpi sgt, %jit3A_56, %sign3A_65 : i32
      %sign3A_67 = arith.extui %sign3A_66 : i1 to i32
      %sign3A_68 = arith.constant 0 : i32
      %sign3A_69 = arith.cmpi slt, %jit3A_56, %sign3A_68 : i32
      %sign3A_70 = arith.extui %sign3A_69 : i1 to i32
      %sign3A_71 = arith.subi %sign3A_67, %sign3A_70 : i32
      %ne3A_72 = arith.cmpi ne, %sign3A_64, %sign3A_71 : i32
      %rem3A_73 = arith.remsi %add3A_55, %jit3A_56 : i32
      %ne3A_74 = arith.constant 0 : i32
      %ne3A_75 = arith.cmpi ne, %rem3A_73, %ne3A_74 : i32
      %and3A_76 = arith.andi %ne3A_72, %ne3A_75 : i1
      %sub3A_77 = arith.constant 1 : i32
      %sub3A_78 = arith.subi %div3A_57, %sub3A_77 : i32
      %select_n3A_79 = arith.select %and3A_76, %sub3A_78, %div3A_57 : i32
      %mul3A_80 = arith.constant 8 : i32
      %mul3A_81 = arith.muli %select_n3A_79, %mul3A_80 : i32
      %sub3A_82 = arith.subi %add3A_55, %mul3A_81 : i32
      %rem3A_83 = arith.constant 2 : i32
      %rem3A_84 = arith.remsi %select_n3A_79, %rem3A_83 : i32
      %eq3A = arith.constant 0 : i32
      %eq3A_85 = arith.cmpi eq, %sub3A_51, %eq3A : i32
      %add3A_86 = arith.constant 1 : i32
      %add3A_87 = arith.addi %select_n3A, %add3A_86 : i32
      %lt3A = arith.constant 10 : i32
      %lt3A_88 = arith.cmpi slt, %add3A_87, %lt3A : i32
      %and3A_89 = arith.andi %eq3A_85, %lt3A_88 : i1
      %convert_element_type3A = arith.extui %and3A_89 : i1 to i32
      %cond3A = arith.constant 0 : i32
      %cond3A_90 = arith.cmpi ne, %convert_element_type3A, %cond3A : i32
      scf.if %cond3A_90 {
        %add3A_121 = arith.constant 1 : i32
        %add3A_122 = arith.addi %select_n3A, %add3A_121 : i32
        %mul3A_123 = arith.constant 8 : i32
        %mul3A_124 = arith.muli %add3A_122, %mul3A_123 : i32
        %add3A_125 = arith.addi %mul3A_2, %mul3A_124 : i32
        %sub3A_126 = arith.constant 1 : i32
        %sub3A_127 = arith.subi %sub3A_126, %rem3A_53 : i32
        %dma_start3A_128 = arith.constant 0 : i32
        %dma_start3A_129 = arith.constant 0 : i32
        %dma_start3A_130 = tpu.memref_slice %arg8[%sub3A_127, %dma_start3A_128, %dma_start3A_129] : memref<2x8x128xi32, #tpu.memory_space<vmem>> -> memref<1x8x128xi32, #tpu.memory_space<vmem>>
        %dma_start3A_131 = tpu.memref_squeeze %dma_start3A_130 : memref<1x8x128xi32, #tpu.memory_space<vmem>> -> memref<8x128xi32, #tpu.memory_space<vmem>>
        %dma_start3A_132 = arith.constant 0 : i32
        %dma_start3A_133 = tpu.memref_slice %arg3[%add3A_125, %dma_start3A_132] : memref<2560x128xi32, #tpu.memory_space<hbm>> -> memref<8x128xi32, #tpu.memory_space<hbm>>
        %dma_start3A_134 = arith.constant 0 : i32
        %dma_start3A_135 = arith.constant 0 : i32
        %dma_start3A_136 = tpu.memref_slice %arg8[%sub3A_127, %dma_start3A_134, %dma_start3A_135] : memref<2x8x128xi32, #tpu.memory_space<vmem>> -> memref<1x8x128xi32, #tpu.memory_space<vmem>>
        %dma_start3A_137 = tpu.memref_squeeze %dma_start3A_136 : memref<1x8x128xi32, #tpu.memory_space<vmem>> -> memref<8x128xi32, #tpu.memory_space<vmem>>
        %dma_start3A_138 = arith.constant 0 : i32
        %dma_start3A_139 = tpu.memref_slice %arg3[%add3A_125, %dma_start3A_138] : memref<2560x128xi32, #tpu.memory_space<hbm>> -> memref<8x128xi32, #tpu.memory_space<hbm>>
        tpu.enqueue_dma source(%dma_start3A_139 : memref<8x128xi32, #tpu.memory_space<hbm>>) target(%dma_start3A_137 : memref<8x128xi32, #tpu.memory_space<vmem>>) target_semaphore(%arg12 : memref<!tpu.dma_semaphore, #tpu.memory_space<semaphore_mem>>)
        %sub3A_140 = arith.constant 1 : i32
        %sub3A_141 = arith.subi %sub3A_140, %rem3A_53 : i32
        %dma_start3A_142 = arith.constant 0 : i32
        %dma_start3A_143 = arith.constant 0 : i32
        %dma_start3A_144 = tpu.memref_slice %arg9[%sub3A_141, %dma_start3A_142, %dma_start3A_143] : memref<2x8x128xi32, #tpu.memory_space<vmem>> -> memref<1x8x128xi32, #tpu.memory_space<vmem>>
        %dma_start3A_145 = tpu.memref_squeeze %dma_start3A_144 : memref<1x8x128xi32, #tpu.memory_space<vmem>> -> memref<8x128xi32, #tpu.memory_space<vmem>>
        %dma_start3A_146 = arith.constant 0 : i32
        %dma_start3A_147 = tpu.memref_slice %arg4[%add3A_125, %dma_start3A_146] : memref<2560x128xi32, #tpu.memory_space<hbm>> -> memref<8x128xi32, #tpu.memory_space<hbm>>
        %dma_start3A_148 = arith.constant 0 : i32
        %dma_start3A_149 = arith.constant 0 : i32
        %dma_start3A_150 = tpu.memref_slice %arg9[%sub3A_141, %dma_start3A_148, %dma_start3A_149] : memref<2x8x128xi32, #tpu.memory_space<vmem>> -> memref<1x8x128xi32, #tpu.memory_space<vmem>>
        %dma_start3A_151 = tpu.memref_squeeze %dma_start3A_150 : memref<1x8x128xi32, #tpu.memory_space<vmem>> -> memref<8x128xi32, #tpu.memory_space<vmem>>
        %dma_start3A_152 = arith.constant 0 : i32
        %dma_start3A_153 = tpu.memref_slice %arg4[%add3A_125, %dma_start3A_152] : memref<2560x128xi32, #tpu.memory_space<hbm>> -> memref<8x128xi32, #tpu.memory_space<hbm>>
        tpu.enqueue_dma source(%dma_start3A_153 : memref<8x128xi32, #tpu.memory_space<hbm>>) target(%dma_start3A_151 : memref<8x128xi32, #tpu.memory_space<vmem>>) target_semaphore(%arg12 : memref<!tpu.dma_semaphore, #tpu.memory_space<semaphore_mem>>)
      } else {
      }
      %eq3A_91 = arith.constant 7 : i32
      %eq3A_92 = arith.cmpi eq, %sub3A_51, %eq3A_91 : i32
      %add3A_93 = arith.constant 1 : i32
      %add3A_94 = arith.addi %select_n3A, %add3A_93 : i32
      %lt3A_95 = arith.constant 10 : i32
      %lt3A_96 = arith.cmpi slt, %add3A_94, %lt3A_95 : i32
      %and3A_97 = arith.andi %eq3A_92, %lt3A_96 : i1
      %convert_element_type3A_98 = arith.extui %and3A_97 : i1 to i32
      %cond3A_99 = arith.constant 0 : i32
      %cond3A_100 = arith.cmpi ne, %convert_element_type3A_98, %cond3A_99 : i32
      scf.if %cond3A_100 {
        %add3A_121 = arith.constant 1 : i32
        %add3A_122 = arith.addi %select_n3A, %add3A_121 : i32
        %mul3A_123 = arith.constant 8 : i32
        %mul3A_124 = arith.muli %add3A_122, %mul3A_123 : i32
        %add3A_125 = arith.addi %mul3A_2, %mul3A_124 : i32
        %sub3A_126 = arith.constant 1 : i32
        %sub3A_127 = arith.subi %sub3A_126, %rem3A_53 : i32
        %dma_wait3A_128 = arith.constant 0 : i32
        %dma_wait3A_129 = arith.constant 0 : i32
        %dma_wait3A_130 = tpu.memref_slice %arg8[%sub3A_127, %dma_wait3A_128, %dma_wait3A_129] : memref<2x8x128xi32, #tpu.memory_space<vmem>> -> memref<1x8x128xi32, #tpu.memory_space<vmem>>
        %dma_wait3A_131 = tpu.memref_squeeze %dma_wait3A_130 : memref<1x8x128xi32, #tpu.memory_space<vmem>> -> memref<8x128xi32, #tpu.memory_space<vmem>>
        %dma_wait3A_132 = arith.constant 0 : i32
        %dma_wait3A_133 = tpu.memref_slice %arg3[%add3A_125, %dma_wait3A_132] : memref<2560x128xi32, #tpu.memory_space<hbm>> -> memref<8x128xi32, #tpu.memory_space<hbm>>
        %dma_wait3A_134 = arith.constant 0 : i32
        %dma_wait3A_135 = arith.constant 0 : i32
        %dma_wait3A_136 = tpu.memref_slice %arg8[%sub3A_127, %dma_wait3A_134, %dma_wait3A_135] : memref<2x8x128xi32, #tpu.memory_space<vmem>> -> memref<1x8x128xi32, #tpu.memory_space<vmem>>
        %dma_wait3A_137 = tpu.memref_squeeze %dma_wait3A_136 : memref<1x8x128xi32, #tpu.memory_space<vmem>> -> memref<8x128xi32, #tpu.memory_space<vmem>>
        %dma_wait3A_138 = arith.constant 0 : i32
        %dma_wait3A_139 = tpu.memref_slice %arg3[%add3A_125, %dma_wait3A_138] : memref<2560x128xi32, #tpu.memory_space<hbm>> -> memref<8x128xi32, #tpu.memory_space<hbm>>
        tpu.wait_dma2 semaphore(%arg12 : memref<!tpu.dma_semaphore, #tpu.memory_space<semaphore_mem>>) src(%dma_wait3A_139 : memref<8x128xi32, #tpu.memory_space<hbm>>) dst(%dma_wait3A_137 : memref<8x128xi32, #tpu.memory_space<vmem>>)
        %sub3A_140 = arith.constant 1 : i32
        %sub3A_141 = arith.subi %sub3A_140, %rem3A_53 : i32
        %dma_wait3A_142 = arith.constant 0 : i32
        %dma_wait3A_143 = arith.constant 0 : i32
        %dma_wait3A_144 = tpu.memref_slice %arg9[%sub3A_141, %dma_wait3A_142, %dma_wait3A_143] : memref<2x8x128xi32, #tpu.memory_space<vmem>> -> memref<1x8x128xi32, #tpu.memory_space<vmem>>
        %dma_wait3A_145 = tpu.memref_squeeze %dma_wait3A_144 : memref<1x8x128xi32, #tpu.memory_space<vmem>> -> memref<8x128xi32, #tpu.memory_space<vmem>>
        %dma_wait3A_146 = arith.constant 0 : i32
        %dma_wait3A_147 = tpu.memref_slice %arg4[%add3A_125, %dma_wait3A_146] : memref<2560x128xi32, #tpu.memory_space<hbm>> -> memref<8x128xi32, #tpu.memory_space<hbm>>
        %dma_wait3A_148 = arith.constant 0 : i32
        %dma_wait3A_149 = arith.constant 0 : i32
        %dma_wait3A_150 = tpu.memref_slice %arg9[%sub3A_141, %dma_wait3A_148, %dma_wait3A_149] : memref<2x8x128xi32, #tpu.memory_space<vmem>> -> memref<1x8x128xi32, #tpu.memory_space<vmem>>
        %dma_wait3A_151 = tpu.memref_squeeze %dma_wait3A_150 : memref<1x8x128xi32, #tpu.memory_space<vmem>> -> memref<8x128xi32, #tpu.memory_space<vmem>>
        %dma_wait3A_152 = arith.constant 0 : i32
        %dma_wait3A_153 = tpu.memref_slice %arg4[%add3A_125, %dma_wait3A_152] : memref<2560x128xi32, #tpu.memory_space<hbm>> -> memref<8x128xi32, #tpu.memory_space<hbm>>
        tpu.wait_dma2 semaphore(%arg12 : memref<!tpu.dma_semaphore, #tpu.memory_space<semaphore_mem>>) src(%dma_wait3A_153 : memref<8x128xi32, #tpu.memory_space<hbm>>) dst(%dma_wait3A_151 : memref<8x128xi32, #tpu.memory_space<vmem>>)
      } else {
      }
      %lt3A_101 = arith.constant 80 : i32
      %lt3A_102 = arith.cmpi slt, %add3A_55, %lt3A_101 : i32
      %convert_element_type3A_103 = arith.extui %lt3A_102 : i1 to i32
      %cond3A_104 = arith.constant 0 : i32
      %cond3A_105 = arith.cmpi ne, %convert_element_type3A_103, %cond3A_104 : i32
      scf.if %cond3A_105 {
        %rem3A_121 = arith.constant 2 : i32
        %rem3A_122 = arith.remsi %add3A_55, %rem3A_121 : i32
        %dma_start3A_123 = arith.constant 0 : i32
        %dma_start3A_124 = arith.constant 0 : i32
        %dma_start3A_125 = tpu.memref_slice %arg10[%rem3A_122, %dma_start3A_123, %dma_start3A_124] : memref<2x128x128xf32, #tpu.memory_space<vmem>> -> memref<1x128x128xf32, #tpu.memory_space<vmem>>
        %dma_start3A_126 = tpu.memref_squeeze %dma_start3A_125 : memref<1x128x128xf32, #tpu.memory_space<vmem>> -> memref<128x128xf32, #tpu.memory_space<vmem>>
        %dma_start3A_127 = arith.constant 0 : i32
        %dma_start3A_128 = arith.constant 0 : i32
        %dma_start3A_129 = tpu.memref_slice %arg8[%rem3A_84, %dma_start3A_127, %dma_start3A_128] : memref<2x8x128xi32, #tpu.memory_space<vmem>> -> memref<1x8x128xi32, #tpu.memory_space<vmem>>
        %dma_start3A_130 = tpu.memref_squeeze %dma_start3A_129 : memref<1x8x128xi32, #tpu.memory_space<vmem>> -> memref<8x128xi32, #tpu.memory_space<vmem>>
        %dma_start3A_131 = arith.constant 0 : i32
        %dma_start3A_132 = tpu.memref_slice %dma_start3A_130[%sub3A_82, %dma_start3A_131] : memref<8x128xi32, #tpu.memory_space<vmem>> -> memref<1x128xi32, #tpu.memory_space<vmem>>
        %dma_start3A_133 = tpu.memref_squeeze %dma_start3A_132 : memref<1x128xi32, #tpu.memory_space<vmem>> -> memref<128xi32, #tpu.memory_space<vmem>>
        %dma_start3A_134 = arith.constant 0 : i32
        %dma_start3A_135 = arith.constant 0 : i32
        %dma_start3A_136 = tpu.memref_slice %arg2[%dma_start3A_134, %dma_start3A_135] : memref<10240x128xf32, #tpu.memory_space<hbm>> -> memref<10240x128xf32, #tpu.memory_space<hbm>>
        tpu.enqueue_indirect_dma source(%dma_start3A_136 : memref<10240x128xf32, #tpu.memory_space<hbm>>) target(%dma_start3A_126 : memref<128x128xf32, #tpu.memory_space<vmem>>) offsets(%dma_start3A_133 : memref<128xi32, #tpu.memory_space<vmem>>) semaphore(%arg11 : memref<!tpu.dma_semaphore, #tpu.memory_space<semaphore_mem>>)
      } else {
      }
      %rem3A_106 = arith.constant 2 : i32
      %rem3A_107 = arith.remsi %scan3A_32, %rem3A_106 : i32
      %dma_wait3A = arith.constant 0 : i32
      %dma_wait3A_108 = arith.constant 0 : i32
      %dma_wait3A_109 = tpu.memref_slice %arg10[%rem3A_107, %dma_wait3A, %dma_wait3A_108] : memref<2x128x128xf32, #tpu.memory_space<vmem>> -> memref<1x128x128xf32, #tpu.memory_space<vmem>>
      %dma_wait3A_110 = tpu.memref_squeeze %dma_wait3A_109 : memref<1x128x128xf32, #tpu.memory_space<vmem>> -> memref<128x128xf32, #tpu.memory_space<vmem>>
      %dma_wait3A_111 = arith.constant 0 : i32
      %dma_wait3A_112 = arith.constant 0 : i32
      %dma_wait3A_113 = tpu.memref_slice %arg8[%rem3A_53, %dma_wait3A_111, %dma_wait3A_112] : memref<2x8x128xi32, #tpu.memory_space<vmem>> -> memref<1x8x128xi32, #tpu.memory_space<vmem>>
      %dma_wait3A_114 = tpu.memref_squeeze %dma_wait3A_113 : memref<1x8x128xi32, #tpu.memory_space<vmem>> -> memref<8x128xi32, #tpu.memory_space<vmem>>
      %dma_wait3A_115 = arith.constant 0 : i32
      %dma_wait3A_116 = tpu.memref_slice %dma_wait3A_114[%sub3A_51, %dma_wait3A_115] : memref<8x128xi32, #tpu.memory_space<vmem>> -> memref<1x128xi32, #tpu.memory_space<vmem>>
      %dma_wait3A_117 = tpu.memref_squeeze %dma_wait3A_116 : memref<1x128xi32, #tpu.memory_space<vmem>> -> memref<128xi32, #tpu.memory_space<vmem>>
      %dma_wait3A_118 = arith.constant 0 : i32
      %dma_wait3A_119 = arith.constant 0 : i32
      %dma_wait3A_120 = tpu.memref_slice %arg2[%dma_wait3A_118, %dma_wait3A_119] : memref<10240x128xf32, #tpu.memory_space<hbm>> -> memref<10240x128xf32, #tpu.memory_space<hbm>>
      tpu.wait_indirect_dma semaphore(%arg11 : memref<!tpu.dma_semaphore, #tpu.memory_space<semaphore_mem>>) src(%dma_wait3A_120 : memref<10240x128xf32, #tpu.memory_space<hbm>>) dst(%dma_wait3A_110 : memref<128x128xf32, #tpu.memory_space<vmem>>)
      "tpu.region"() ({
        %run_scoped3A_121 = tpu.sem_alloc : memref<!tpu.dma_semaphore, #tpu.memory_space<semaphore_mem>>
        %dma_start3A_122 = arith.constant 0 : i32
        %dma_start3A_123 = arith.constant 0 : i32
        %dma_start3A_124 = tpu.memref_slice %arg10[%rem3A_107, %dma_start3A_122, %dma_start3A_123] : memref<2x128x128xf32, #tpu.memory_space<vmem>> -> memref<1x128x128xf32, #tpu.memory_space<vmem>>
        %dma_start3A_125 = tpu.memref_squeeze %dma_start3A_124 : memref<1x128x128xf32, #tpu.memory_space<vmem>> -> memref<128x128xf32, #tpu.memory_space<vmem>>
        %dma_start3A_126 = arith.constant 0 : i32
        %dma_start3A_127 = arith.constant 0 : i32
        %dma_start3A_128 = tpu.memref_slice %arg9[%rem3A_53, %dma_start3A_126, %dma_start3A_127] : memref<2x8x128xi32, #tpu.memory_space<vmem>> -> memref<1x8x128xi32, #tpu.memory_space<vmem>>
        %dma_start3A_129 = tpu.memref_squeeze %dma_start3A_128 : memref<1x8x128xi32, #tpu.memory_space<vmem>> -> memref<8x128xi32, #tpu.memory_space<vmem>>
        %dma_start3A_130 = arith.constant 0 : i32
        %dma_start3A_131 = tpu.memref_slice %dma_start3A_129[%sub3A_51, %dma_start3A_130] : memref<8x128xi32, #tpu.memory_space<vmem>> -> memref<1x128xi32, #tpu.memory_space<vmem>>
        %dma_start3A_132 = tpu.memref_squeeze %dma_start3A_131 : memref<1x128xi32, #tpu.memory_space<vmem>> -> memref<128xi32, #tpu.memory_space<vmem>>
        %dma_start3A_133 = arith.constant 0 : i32
        %dma_start3A_134 = arith.constant 0 : i32
        %dma_start3A_135 = tpu.memref_slice %arg7[%dma_start3A_133, %dma_start3A_134] : memref<10240x128xf32, #tpu.memory_space<vmem_shared>> -> memref<10240x128xf32, #tpu.memory_space<vmem_shared>>
        tpu.enqueue_indirect_dma source(%dma_start3A_125 : memref<128x128xf32, #tpu.memory_space<vmem>>) target(%dma_start3A_135 : memref<10240x128xf32, #tpu.memory_space<vmem_shared>>) offsets(%dma_start3A_132 : memref<128xi32, #tpu.memory_space<vmem>>) semaphore(%run_scoped3A_121 : memref<!tpu.dma_semaphore, #tpu.memory_space<semaphore_mem>>) {add = true}
        %dma_wait3A_136 = arith.constant 0 : i32
        %dma_wait3A_137 = arith.constant 0 : i32
        %dma_wait3A_138 = tpu.memref_slice %arg10[%rem3A_107, %dma_wait3A_136, %dma_wait3A_137] : memref<2x128x128xf32, #tpu.memory_space<vmem>> -> memref<1x128x128xf32, #tpu.memory_space<vmem>>
        %dma_wait3A_139 = tpu.memref_squeeze %dma_wait3A_138 : memref<1x128x128xf32, #tpu.memory_space<vmem>> -> memref<128x128xf32, #tpu.memory_space<vmem>>
        %dma_wait3A_140 = arith.constant 0 : i32
        %dma_wait3A_141 = arith.constant 0 : i32
        %dma_wait3A_142 = tpu.memref_slice %arg9[%rem3A_53, %dma_wait3A_140, %dma_wait3A_141] : memref<2x8x128xi32, #tpu.memory_space<vmem>> -> memref<1x8x128xi32, #tpu.memory_space<vmem>>
        %dma_wait3A_143 = tpu.memref_squeeze %dma_wait3A_142 : memref<1x8x128xi32, #tpu.memory_space<vmem>> -> memref<8x128xi32, #tpu.memory_space<vmem>>
        %dma_wait3A_144 = arith.constant 0 : i32
        %dma_wait3A_145 = tpu.memref_slice %dma_wait3A_143[%sub3A_51, %dma_wait3A_144] : memref<8x128xi32, #tpu.memory_space<vmem>> -> memref<1x128xi32, #tpu.memory_space<vmem>>
        %dma_wait3A_146 = tpu.memref_squeeze %dma_wait3A_145 : memref<1x128xi32, #tpu.memory_space<vmem>> -> memref<128xi32, #tpu.memory_space<vmem>>
        %dma_wait3A_147 = arith.constant 0 : i32
        %dma_wait3A_148 = arith.constant 0 : i32
        %dma_wait3A_149 = tpu.memref_slice %arg7[%dma_wait3A_147, %dma_wait3A_148] : memref<10240x128xf32, #tpu.memory_space<vmem_shared>> -> memref<10240x128xf32, #tpu.memory_space<vmem_shared>>
        tpu.wait_indirect_dma semaphore(%run_scoped3A_121 : memref<!tpu.dma_semaphore, #tpu.memory_space<semaphore_mem>>) src(%dma_wait3A_139 : memref<128x128xf32, #tpu.memory_space<vmem>>) dst(%dma_wait3A_149 : memref<10240x128xf32, #tpu.memory_space<vmem_shared>>)
        tpu.yield
      }) : () -> ()
    }
    %scan3A_26 = arith.constant 80 : i32
    %barrier3A_27 = arith.constant 0 : index
    tpu.barrier barrier_id(%barrier3A_27)
    %mul3A_28 = arith.constant 640 : i32
    %mul3A_29 = arith.muli %arg1, %mul3A_28 : i32
    %mul3A_30 = arith.constant 640 : i32
    %mul3A_31 = arith.muli %arg1, %mul3A_30 : i32
    "tpu.region"() ({
      %run_scoped3A_32 = tpu.sem_alloc : memref<!tpu.dma_semaphore, #tpu.memory_space<semaphore_mem>>
      %dma_start3A_33 = arith.constant 0 : i32
      %dma_start3A_34 = tpu.memref_slice %arg6[%arg0, %mul3A_31, %dma_start3A_33] : memref<2x10240x128xf32, #tpu.memory_space<hbm>> -> memref<1x640x128xf32, #tpu.memory_space<hbm>>
      %dma_start3A_35 = tpu.memref_squeeze %dma_start3A_34 : memref<1x640x128xf32, #tpu.memory_space<hbm>> -> memref<640x128xf32, #tpu.memory_space<hbm>>
      %dma_start3A_36 = arith.constant 0 : i32
      %dma_start3A_37 = tpu.memref_slice %arg7[%mul3A_29, %dma_start3A_36] : memref<10240x128xf32, #tpu.memory_space<vmem_shared>> -> memref<640x128xf32, #tpu.memory_space<vmem_shared>>
      tpu.enqueue_dma source(%dma_start3A_37 : memref<640x128xf32, #tpu.memory_space<vmem_shared>>) target(%dma_start3A_35 : memref<640x128xf32, #tpu.memory_space<hbm>>) target_semaphore(%run_scoped3A_32 : memref<!tpu.dma_semaphore, #tpu.memory_space<semaphore_mem>>)
      %dma_wait3A = arith.constant 0 : i32
      %dma_wait3A_38 = tpu.memref_slice %arg6[%arg0, %mul3A_31, %dma_wait3A] : memref<2x10240x128xf32, #tpu.memory_space<hbm>> -> memref<1x640x128xf32, #tpu.memory_space<hbm>>
      %dma_wait3A_39 = tpu.memref_squeeze %dma_wait3A_38 : memref<1x640x128xf32, #tpu.memory_space<hbm>> -> memref<640x128xf32, #tpu.memory_space<hbm>>
      %dma_wait3A_40 = arith.constant 0 : i32
      %dma_wait3A_41 = tpu.memref_slice %arg7[%mul3A_29, %dma_wait3A_40] : memref<10240x128xf32, #tpu.memory_space<vmem_shared>> -> memref<640x128xf32, #tpu.memory_space<vmem_shared>>
      tpu.wait_dma2 semaphore(%run_scoped3A_32 : memref<!tpu.dma_semaphore, #tpu.memory_space<semaphore_mem>>) src(%dma_wait3A_41 : memref<640x128xf32, #tpu.memory_space<vmem_shared>>) dst(%dma_wait3A_39 : memref<640x128xf32, #tpu.memory_space<hbm>>)
      tpu.yield
    }) : () -> ()
    return
  }
}

#map = affine_map<(d0, d1) -> (0, 0)>
#map1 = affine_map<(d0, d1) -> (0)>
module attributes {stable_mosaic.version = 14 : i64} {
  func.func @_deg_kernel(%arg0: i32, %arg1: i32, %arg2: memref<2560x128xi32, #tpu.memory_space<hbm>>, %arg3: memref<10240xf32, #tpu.memory_space<hbm>>, %arg4: memref<2x10240xf32, #tpu.memory_space<hbm>>, %arg5: memref<10240xf32, #tpu.memory_space<vmem_shared>>, %arg6: memref<80x128xi32, #tpu.memory_space<vmem>>, %arg7: memref<128xf32, #tpu.memory_space<vmem>>) attributes {dimension_semantics = [#tpu.dimension_semantics<core_parallel>, #tpu.dimension_semantics<subcore_parallel>], iteration_bounds = array<i64: 2, 16>, scalar_prefetch = 0 : i64, scratch_operands = 3 : i64, tpu.core_type = #tpu.core_type<sc_vector_subcore>, window_params = [{transform_indices = #map}, {transform_indices = #map1}, {transform_indices = #map}]} {
    %mul3A = arith.constant 16 : i32
    %mul3A_0 = arith.muli %arg0, %mul3A : i32
    %add3A = arith.addi %mul3A_0, %arg1 : i32
    %mul3A_1 = arith.constant 640 : i32
    %mul3A_2 = arith.muli %arg1, %mul3A_1 : i32
    %mul3A_3 = arith.constant 640 : i32
    %mul3A_4 = arith.muli %arg1, %mul3A_3 : i32
    "tpu.region"() ({
      %run_scoped3A = tpu.sem_alloc : memref<!tpu.dma_semaphore, #tpu.memory_space<semaphore_mem>>
      %dma_start3A = tpu.memref_slice %arg5[%mul3A_4] : memref<10240xf32, #tpu.memory_space<vmem_shared>> -> memref<640xf32, #tpu.memory_space<vmem_shared>>
      %dma_start3A_63 = tpu.memref_slice %arg3[%mul3A_2] : memref<10240xf32, #tpu.memory_space<hbm>> -> memref<640xf32, #tpu.memory_space<hbm>>
      tpu.enqueue_dma source(%dma_start3A_63 : memref<640xf32, #tpu.memory_space<hbm>>) target(%dma_start3A : memref<640xf32, #tpu.memory_space<vmem_shared>>) target_semaphore(%run_scoped3A : memref<!tpu.dma_semaphore, #tpu.memory_space<semaphore_mem>>)
      %dma_wait3A = tpu.memref_slice %arg5[%mul3A_4] : memref<10240xf32, #tpu.memory_space<vmem_shared>> -> memref<640xf32, #tpu.memory_space<vmem_shared>>
      %dma_wait3A_64 = tpu.memref_slice %arg3[%mul3A_2] : memref<10240xf32, #tpu.memory_space<hbm>> -> memref<640xf32, #tpu.memory_space<hbm>>
      tpu.wait_dma2 semaphore(%run_scoped3A : memref<!tpu.dma_semaphore, #tpu.memory_space<semaphore_mem>>) src(%dma_wait3A_64 : memref<640xf32, #tpu.memory_space<hbm>>) dst(%dma_wait3A : memref<640xf32, #tpu.memory_space<vmem_shared>>)
      tpu.yield
    }) : () -> ()
    %mul3A_5 = arith.constant 80 : i32
    %mul3A_6 = arith.muli %add3A, %mul3A_5 : i32
    "tpu.region"() ({
      %run_scoped3A = tpu.sem_alloc : memref<!tpu.dma_semaphore, #tpu.memory_space<semaphore_mem>>
      %dma_start3A = arith.constant 0 : i32
      %dma_start3A_63 = tpu.memref_slice %arg2[%mul3A_6, %dma_start3A] : memref<2560x128xi32, #tpu.memory_space<hbm>> -> memref<80x128xi32, #tpu.memory_space<hbm>>
      %dma_start3A_64 = arith.constant 0 : i32
      %dma_start3A_65 = tpu.memref_slice %arg2[%mul3A_6, %dma_start3A_64] : memref<2560x128xi32, #tpu.memory_space<hbm>> -> memref<80x128xi32, #tpu.memory_space<hbm>>
      tpu.enqueue_dma source(%dma_start3A_65 : memref<80x128xi32, #tpu.memory_space<hbm>>) target(%arg6 : memref<80x128xi32, #tpu.memory_space<vmem>>) target_semaphore(%run_scoped3A : memref<!tpu.dma_semaphore, #tpu.memory_space<semaphore_mem>>)
      %dma_wait3A = arith.constant 0 : i32
      %dma_wait3A_66 = tpu.memref_slice %arg2[%mul3A_6, %dma_wait3A] : memref<2560x128xi32, #tpu.memory_space<hbm>> -> memref<80x128xi32, #tpu.memory_space<hbm>>
      %dma_wait3A_67 = arith.constant 0 : i32
      %dma_wait3A_68 = tpu.memref_slice %arg2[%mul3A_6, %dma_wait3A_67] : memref<2560x128xi32, #tpu.memory_space<hbm>> -> memref<80x128xi32, #tpu.memory_space<hbm>>
      tpu.wait_dma2 semaphore(%run_scoped3A : memref<!tpu.dma_semaphore, #tpu.memory_space<semaphore_mem>>) src(%dma_wait3A_68 : memref<80x128xi32, #tpu.memory_space<hbm>>) dst(%arg6 : memref<80x128xi32, #tpu.memory_space<vmem>>)
      tpu.yield
    }) : () -> ()
    %broadcast_in_dim3A = arith.constant 1.000000e+00 : f32
    %broadcast_in_dim3A_7 = vector.broadcast %broadcast_in_dim3A : f32 to vector<16xf32>
    %swap3A = arith.constant 0 : index
    %swap3A_8 = tpu.vector_load %arg7[%swap3A] {strides = array<i32>} : memref<128xf32, #tpu.memory_space<vmem>>, vector<16xf32>,
    %swap3A_9 = vector.shape_cast %swap3A_8 : vector<16xf32> to vector<16xf32>
    %swap3A_10 = vector.shape_cast %broadcast_in_dim3A_7 : vector<16xf32> to vector<16xf32>
    tpu.vector_store %arg7[%swap3A], %swap3A_10 {strides = array<i32>} : memref<128xf32, #tpu.memory_space<vmem>>, vector<16xf32>,
    %broadcast_in_dim3A_11 = arith.constant 1.000000e+00 : f32
    %broadcast_in_dim3A_12 = vector.broadcast %broadcast_in_dim3A_11 : f32 to vector<16xf32>
    %swap3A_13 = arith.constant 16 : index
    %swap3A_14 = tpu.vector_load %arg7[%swap3A_13] {strides = array<i32>} : memref<128xf32, #tpu.memory_space<vmem>>, vector<16xf32>,
    %swap3A_15 = vector.shape_cast %swap3A_14 : vector<16xf32> to vector<16xf32>
    %swap3A_16 = vector.shape_cast %broadcast_in_dim3A_12 : vector<16xf32> to vector<16xf32>
    tpu.vector_store %arg7[%swap3A_13], %swap3A_16 {strides = array<i32>} : memref<128xf32, #tpu.memory_space<vmem>>, vector<16xf32>,
    %broadcast_in_dim3A_17 = arith.constant 1.000000e+00 : f32
    %broadcast_in_dim3A_18 = vector.broadcast %broadcast_in_dim3A_17 : f32 to vector<16xf32>
    %swap3A_19 = arith.constant 32 : index
    %swap3A_20 = tpu.vector_load %arg7[%swap3A_19] {strides = array<i32>} : memref<128xf32, #tpu.memory_space<vmem>>, vector<16xf32>,
    %swap3A_21 = vector.shape_cast %swap3A_20 : vector<16xf32> to vector<16xf32>
    %swap3A_22 = vector.shape_cast %broadcast_in_dim3A_18 : vector<16xf32> to vector<16xf32>
    tpu.vector_store %arg7[%swap3A_19], %swap3A_22 {strides = array<i32>} : memref<128xf32, #tpu.memory_space<vmem>>, vector<16xf32>,
    %broadcast_in_dim3A_23 = arith.constant 1.000000e+00 : f32
    %broadcast_in_dim3A_24 = vector.broadcast %broadcast_in_dim3A_23 : f32 to vector<16xf32>
    %swap3A_25 = arith.constant 48 : index
    %swap3A_26 = tpu.vector_load %arg7[%swap3A_25] {strides = array<i32>} : memref<128xf32, #tpu.memory_space<vmem>>, vector<16xf32>,
    %swap3A_27 = vector.shape_cast %swap3A_26 : vector<16xf32> to vector<16xf32>
    %swap3A_28 = vector.shape_cast %broadcast_in_dim3A_24 : vector<16xf32> to vector<16xf32>
    tpu.vector_store %arg7[%swap3A_25], %swap3A_28 {strides = array<i32>} : memref<128xf32, #tpu.memory_space<vmem>>, vector<16xf32>,
    %broadcast_in_dim3A_29 = arith.constant 1.000000e+00 : f32
    %broadcast_in_dim3A_30 = vector.broadcast %broadcast_in_dim3A_29 : f32 to vector<16xf32>
    %swap3A_31 = arith.constant 64 : index
    %swap3A_32 = tpu.vector_load %arg7[%swap3A_31] {strides = array<i32>} : memref<128xf32, #tpu.memory_space<vmem>>, vector<16xf32>,
    %swap3A_33 = vector.shape_cast %swap3A_32 : vector<16xf32> to vector<16xf32>
    %swap3A_34 = vector.shape_cast %broadcast_in_dim3A_30 : vector<16xf32> to vector<16xf32>
    tpu.vector_store %arg7[%swap3A_31], %swap3A_34 {strides = array<i32>} : memref<128xf32, #tpu.memory_space<vmem>>, vector<16xf32>,
    %broadcast_in_dim3A_35 = arith.constant 1.000000e+00 : f32
    %broadcast_in_dim3A_36 = vector.broadcast %broadcast_in_dim3A_35 : f32 to vector<16xf32>
    %swap3A_37 = arith.constant 80 : index
    %swap3A_38 = tpu.vector_load %arg7[%swap3A_37] {strides = array<i32>} : memref<128xf32, #tpu.memory_space<vmem>>, vector<16xf32>,
    %swap3A_39 = vector.shape_cast %swap3A_38 : vector<16xf32> to vector<16xf32>
    %swap3A_40 = vector.shape_cast %broadcast_in_dim3A_36 : vector<16xf32> to vector<16xf32>
    tpu.vector_store %arg7[%swap3A_37], %swap3A_40 {strides = array<i32>} : memref<128xf32, #tpu.memory_space<vmem>>, vector<16xf32>,
    %broadcast_in_dim3A_41 = arith.constant 1.000000e+00 : f32
    %broadcast_in_dim3A_42 = vector.broadcast %broadcast_in_dim3A_41 : f32 to vector<16xf32>
    %swap3A_43 = arith.constant 96 : index
    %swap3A_44 = tpu.vector_load %arg7[%swap3A_43] {strides = array<i32>} : memref<128xf32, #tpu.memory_space<vmem>>, vector<16xf32>,
    %swap3A_45 = vector.shape_cast %swap3A_44 : vector<16xf32> to vector<16xf32>
    %swap3A_46 = vector.shape_cast %broadcast_in_dim3A_42 : vector<16xf32> to vector<16xf32>
    tpu.vector_store %arg7[%swap3A_43], %swap3A_46 {strides = array<i32>} : memref<128xf32, #tpu.memory_space<vmem>>, vector<16xf32>,
    %broadcast_in_dim3A_47 = arith.constant 1.000000e+00 : f32
    %broadcast_in_dim3A_48 = vector.broadcast %broadcast_in_dim3A_47 : f32 to vector<16xf32>
    %swap3A_49 = arith.constant 112 : index
    %swap3A_50 = tpu.vector_load %arg7[%swap3A_49] {strides = array<i32>} : memref<128xf32, #tpu.memory_space<vmem>>, vector<16xf32>,
    %swap3A_51 = vector.shape_cast %swap3A_50 : vector<16xf32> to vector<16xf32>
    %swap3A_52 = vector.shape_cast %broadcast_in_dim3A_48 : vector<16xf32> to vector<16xf32>
    tpu.vector_store %arg7[%swap3A_49], %swap3A_52 {strides = array<i32>} : memref<128xf32, #tpu.memory_space<vmem>>, vector<16xf32>,
    %barrier3A = arith.constant 0 : index
    tpu.barrier barrier_id(%barrier3A)
    %scan3A = arith.constant 0 : i32
    %scan3A_53 = arith.constant 0 : i32
    %scan3A_54 = arith.constant 80 : i32
    %scan3A_55 = arith.addi %scan3A_53, %scan3A_54 : i32
    %scan3A_56 = arith.constant 1 : i32
    scf.for %scan3A_63 = %scan3A_53 to %scan3A_55 step %scan3A_56  : i32 {
      "tpu.region"() ({
        %run_scoped3A = tpu.sem_alloc : memref<!tpu.dma_semaphore, #tpu.memory_space<semaphore_mem>>
        %dma_start3A = arith.constant 0 : i32
        %dma_start3A_64 = tpu.memref_slice %arg6[%scan3A_63, %dma_start3A] : memref<80x128xi32, #tpu.memory_space<vmem>> -> memref<1x128xi32, #tpu.memory_space<vmem>>
        %dma_start3A_65 = tpu.memref_squeeze %dma_start3A_64 : memref<1x128xi32, #tpu.memory_space<vmem>> -> memref<128xi32, #tpu.memory_space<vmem>>
        %dma_start3A_66 = arith.constant 0 : i32
        %dma_start3A_67 = tpu.memref_slice %arg5[%dma_start3A_66] : memref<10240xf32, #tpu.memory_space<vmem_shared>> -> memref<10240xf32, #tpu.memory_space<vmem_shared>>
        tpu.enqueue_indirect_dma source(%arg7 : memref<128xf32, #tpu.memory_space<vmem>>) target(%dma_start3A_67 : memref<10240xf32, #tpu.memory_space<vmem_shared>>) offsets(%dma_start3A_65 : memref<128xi32, #tpu.memory_space<vmem>>) semaphore(%run_scoped3A : memref<!tpu.dma_semaphore, #tpu.memory_space<semaphore_mem>>) {add = true}
        %dma_wait3A = arith.constant 0 : i32
        %dma_wait3A_68 = tpu.memref_slice %arg6[%scan3A_63, %dma_wait3A] : memref<80x128xi32, #tpu.memory_space<vmem>> -> memref<1x128xi32, #tpu.memory_space<vmem>>
        %dma_wait3A_69 = tpu.memref_squeeze %dma_wait3A_68 : memref<1x128xi32, #tpu.memory_space<vmem>> -> memref<128xi32, #tpu.memory_space<vmem>>
        %dma_wait3A_70 = arith.constant 0 : i32
        %dma_wait3A_71 = tpu.memref_slice %arg5[%dma_wait3A_70] : memref<10240xf32, #tpu.memory_space<vmem_shared>> -> memref<10240xf32, #tpu.memory_space<vmem_shared>>
        tpu.wait_indirect_dma semaphore(%run_scoped3A : memref<!tpu.dma_semaphore, #tpu.memory_space<semaphore_mem>>) src(%arg7 : memref<128xf32, #tpu.memory_space<vmem>>) dst(%dma_wait3A_71 : memref<10240xf32, #tpu.memory_space<vmem_shared>>)
        tpu.yield
      }) : () -> ()
    }
    %scan3A_57 = arith.constant 80 : i32
    %barrier3A_58 = arith.constant 0 : index
    tpu.barrier barrier_id(%barrier3A_58)
    %mul3A_59 = arith.constant 640 : i32
    %mul3A_60 = arith.muli %arg1, %mul3A_59 : i32
    %mul3A_61 = arith.constant 640 : i32
    %mul3A_62 = arith.muli %arg1, %mul3A_61 : i32
    "tpu.region"() ({
      %run_scoped3A = tpu.sem_alloc : memref<!tpu.dma_semaphore, #tpu.memory_space<semaphore_mem>>
      %dma_start3A = tpu.memref_slice %arg4[%arg0, %mul3A_62] : memref<2x10240xf32, #tpu.memory_space<hbm>> -> memref<1x640xf32, #tpu.memory_space<hbm>>
      %dma_start3A_63 = tpu.memref_squeeze %dma_start3A : memref<1x640xf32, #tpu.memory_space<hbm>> -> memref<640xf32, #tpu.memory_space<hbm>>
      %dma_start3A_64 = tpu.memref_slice %arg5[%mul3A_60] : memref<10240xf32, #tpu.memory_space<vmem_shared>> -> memref<640xf32, #tpu.memory_space<vmem_shared>>
      tpu.enqueue_dma source(%dma_start3A_64 : memref<640xf32, #tpu.memory_space<vmem_shared>>) target(%dma_start3A_63 : memref<640xf32, #tpu.memory_space<hbm>>) target_semaphore(%run_scoped3A : memref<!tpu.dma_semaphore, #tpu.memory_space<semaphore_mem>>)
      %dma_wait3A = tpu.memref_slice %arg4[%arg0, %mul3A_62] : memref<2x10240xf32, #tpu.memory_space<hbm>> -> memref<1x640xf32, #tpu.memory_space<hbm>>
      %dma_wait3A_65 = tpu.memref_squeeze %dma_wait3A : memref<1x640xf32, #tpu.memory_space<hbm>> -> memref<640xf32, #tpu.memory_space<hbm>>
      %dma_wait3A_66 = tpu.memref_slice %arg5[%mul3A_60] : memref<10240xf32, #tpu.memory_space<vmem_shared>> -> memref<640xf32, #tpu.memory_space<vmem_shared>>
      tpu.wait_dma2 semaphore(%run_scoped3A : memref<!tpu.dma_semaphore, #tpu.memory_space<semaphore_mem>>) src(%dma_wait3A_66 : memref<640xf32, #tpu.memory_space<vmem_shared>>) dst(%dma_wait3A_65 : memref<640xf32, #tpu.memory_space<hbm>>)
      tpu.yield
    }) : () -> ()
    return
  }
}

#map = affine_map<(d0, d1) -> (0, 0)>
#map1 = affine_map<(d0, d1) -> (0, 0, 0)>
module attributes {stable_mosaic.version = 14 : i64} {
  func.func @_agg_kernel(%arg0: i32, %arg1: i32, %arg2: memref<10240x128xf32, #tpu.memory_space<hbm>>, %arg3: memref<2560x128xi32, #tpu.memory_space<hbm>>, %arg4: memref<2560x128xi32, #tpu.memory_space<hbm>>, %arg5: memref<640x128xf32, #tpu.memory_space<hbm>>, %arg6: memref<2x10240x128xf32, #tpu.memory_space<hbm>>, %arg7: memref<10240x128xf32, #tpu.memory_space<vmem_shared>>, %arg8: memref<2x8x128xi32, #tpu.memory_space<vmem>>, %arg9: memref<2x8x128xi32, #tpu.memory_space<vmem>>, %arg10: memref<2x128x128xf32, #tpu.memory_space<vmem>>, %arg11: memref<!tpu.dma_semaphore, #tpu.memory_space<semaphore_mem>>, %arg12: memref<!tpu.dma_semaphore, #tpu.memory_space<semaphore_mem>>) attributes {dimension_semantics = [#tpu.dimension_semantics<core_parallel>, #tpu.dimension_semantics<subcore_parallel>], iteration_bounds = array<i64: 2, 16>, scalar_prefetch = 0 : i64, scratch_operands = 6 : i64, tpu.core_type = #tpu.core_type<sc_vector_subcore>, window_params = [{transform_indices = #map}, {transform_indices = #map}, {transform_indices = #map}, {transform_indices = #map}, {transform_indices = #map1}]} {
    %mul3A = arith.constant 16 : i32
    %mul3A_0 = arith.muli %arg0, %mul3A : i32
    %add3A = arith.addi %mul3A_0, %arg1 : i32
    %mul3A_1 = arith.constant 80 : i32
    %mul3A_2 = arith.muli %add3A, %mul3A_1 : i32
    %mul3A_3 = arith.constant 640 : i32
    %mul3A_4 = arith.muli %arg1, %mul3A_3 : i32
    "tpu.region"() ({
      %run_scoped3A_32 = tpu.sem_alloc : memref<!tpu.dma_semaphore, #tpu.memory_space<semaphore_mem>>
      %dma_start3A_33 = arith.constant 0 : i32
      %dma_start3A_34 = tpu.memref_slice %arg7[%mul3A_4, %dma_start3A_33] : memref<10240x128xf32, #tpu.memory_space<vmem_shared>> -> memref<640x128xf32, #tpu.memory_space<vmem_shared>>
      tpu.enqueue_dma source(%arg5 : memref<640x128xf32, #tpu.memory_space<hbm>>) target(%dma_start3A_34 : memref<640x128xf32, #tpu.memory_space<vmem_shared>>) target_semaphore(%run_scoped3A_32 : memref<!tpu.dma_semaphore, #tpu.memory_space<semaphore_mem>>)
      %dma_wait3A = arith.constant 0 : i32
      %dma_wait3A_35 = tpu.memref_slice %arg7[%mul3A_4, %dma_wait3A] : memref<10240x128xf32, #tpu.memory_space<vmem_shared>> -> memref<640x128xf32, #tpu.memory_space<vmem_shared>>
      tpu.wait_dma2 semaphore(%run_scoped3A_32 : memref<!tpu.dma_semaphore, #tpu.memory_space<semaphore_mem>>) src(%arg5 : memref<640x128xf32, #tpu.memory_space<hbm>>) dst(%dma_wait3A_35 : memref<640x128xf32, #tpu.memory_space<vmem_shared>>)
      tpu.yield
    }) : () -> ()
    %run_scoped3A = arith.constant 0 : i32
    "tpu.region"() ({
      %run_scoped3A_32 = tpu.sem_alloc : memref<!tpu.dma_semaphore, #tpu.memory_space<semaphore_mem>>
      %dma_start3A_33 = arith.constant 0 : i32
      %dma_start3A_34 = arith.constant 0 : i32
      %dma_start3A_35 = tpu.memref_slice %arg8[%run_scoped3A, %dma_start3A_33, %dma_start3A_34] : memref<2x8x128xi32, #tpu.memory_space<vmem>> -> memref<1x8x128xi32, #tpu.memory_space<vmem>>
      %dma_start3A_36 = tpu.memref_squeeze %dma_start3A_35 : memref<1x8x128xi32, #tpu.memory_space<vmem>> -> memref<8x128xi32, #tpu.memory_space<vmem>>
      %dma_start3A_37 = arith.constant 0 : i32
      %dma_start3A_38 = tpu.memref_slice %arg3[%mul3A_2, %dma_start3A_37] : memref<2560x128xi32, #tpu.memory_space<hbm>> -> memref<8x128xi32, #tpu.memory_space<hbm>>
      %dma_start3A_39 = arith.constant 0 : i32
      %dma_start3A_40 = arith.constant 0 : i32
      %dma_start3A_41 = tpu.memref_slice %arg8[%run_scoped3A, %dma_start3A_39, %dma_start3A_40] : memref<2x8x128xi32, #tpu.memory_space<vmem>> -> memref<1x8x128xi32, #tpu.memory_space<vmem>>
      %dma_start3A_42 = tpu.memref_squeeze %dma_start3A_41 : memref<1x8x128xi32, #tpu.memory_space<vmem>> -> memref<8x128xi32, #tpu.memory_space<vmem>>
      %dma_start3A_43 = arith.constant 0 : i32
      %dma_start3A_44 = tpu.memref_slice %arg3[%mul3A_2, %dma_start3A_43] : memref<2560x128xi32, #tpu.memory_space<hbm>> -> memref<8x128xi32, #tpu.memory_space<hbm>>
      tpu.enqueue_dma source(%dma_start3A_44 : memref<8x128xi32, #tpu.memory_space<hbm>>) target(%dma_start3A_42 : memref<8x128xi32, #tpu.memory_space<vmem>>) target_semaphore(%run_scoped3A_32 : memref<!tpu.dma_semaphore, #tpu.memory_space<semaphore_mem>>)
      %dma_wait3A = arith.constant 0 : i32
      %dma_wait3A_45 = arith.constant 0 : i32
      %dma_wait3A_46 = tpu.memref_slice %arg8[%run_scoped3A, %dma_wait3A, %dma_wait3A_45] : memref<2x8x128xi32, #tpu.memory_space<vmem>> -> memref<1x8x128xi32, #tpu.memory_space<vmem>>
      %dma_wait3A_47 = tpu.memref_squeeze %dma_wait3A_46 : memref<1x8x128xi32, #tpu.memory_space<vmem>> -> memref<8x128xi32, #tpu.memory_space<vmem>>
      %dma_wait3A_48 = arith.constant 0 : i32
      %dma_wait3A_49 = tpu.memref_slice %arg3[%mul3A_2, %dma_wait3A_48] : memref<2560x128xi32, #tpu.memory_space<hbm>> -> memref<8x128xi32, #tpu.memory_space<hbm>>
      %dma_wait3A_50 = arith.constant 0 : i32
      %dma_wait3A_51 = arith.constant 0 : i32
      %dma_wait3A_52 = tpu.memref_slice %arg8[%run_scoped3A, %dma_wait3A_50, %dma_wait3A_51] : memref<2x8x128xi32, #tpu.memory_space<vmem>> -> memref<1x8x128xi32, #tpu.memory_space<vmem>>
      %dma_wait3A_53 = tpu.memref_squeeze %dma_wait3A_52 : memref<1x8x128xi32, #tpu.memory_space<vmem>> -> memref<8x128xi32, #tpu.memory_space<vmem>>
      %dma_wait3A_54 = arith.constant 0 : i32
      %dma_wait3A_55 = tpu.memref_slice %arg3[%mul3A_2, %dma_wait3A_54] : memref<2560x128xi32, #tpu.memory_space<hbm>> -> memref<8x128xi32, #tpu.memory_space<hbm>>
      tpu.wait_dma2 semaphore(%run_scoped3A_32 : memref<!tpu.dma_semaphore, #tpu.memory_space<semaphore_mem>>) src(%dma_wait3A_55 : memref<8x128xi32, #tpu.memory_space<hbm>>) dst(%dma_wait3A_53 : memref<8x128xi32, #tpu.memory_space<vmem>>)
      tpu.yield
    }) : () -> ()
    %run_scoped3A_5 = arith.constant 0 : i32
    "tpu.region"() ({
      %run_scoped3A_32 = tpu.sem_alloc : memref<!tpu.dma_semaphore, #tpu.memory_space<semaphore_mem>>
      %dma_start3A_33 = arith.constant 0 : i32
      %dma_start3A_34 = arith.constant 0 : i32
      %dma_start3A_35 = tpu.memref_slice %arg9[%run_scoped3A_5, %dma_start3A_33, %dma_start3A_34] : memref<2x8x128xi32, #tpu.memory_space<vmem>> -> memref<1x8x128xi32, #tpu.memory_space<vmem>>
      %dma_start3A_36 = tpu.memref_squeeze %dma_start3A_35 : memref<1x8x128xi32, #tpu.memory_space<vmem>> -> memref<8x128xi32, #tpu.memory_space<vmem>>
      %dma_start3A_37 = arith.constant 0 : i32
      %dma_start3A_38 = tpu.memref_slice %arg4[%mul3A_2, %dma_start3A_37] : memref<2560x128xi32, #tpu.memory_space<hbm>> -> memref<8x128xi32, #tpu.memory_space<hbm>>
      %dma_start3A_39 = arith.constant 0 : i32
      %dma_start3A_40 = arith.constant 0 : i32
      %dma_start3A_41 = tpu.memref_slice %arg9[%run_scoped3A_5, %dma_start3A_39, %dma_start3A_40] : memref<2x8x128xi32, #tpu.memory_space<vmem>> -> memref<1x8x128xi32, #tpu.memory_space<vmem>>
      %dma_start3A_42 = tpu.memref_squeeze %dma_start3A_41 : memref<1x8x128xi32, #tpu.memory_space<vmem>> -> memref<8x128xi32, #tpu.memory_space<vmem>>
      %dma_start3A_43 = arith.constant 0 : i32
      %dma_start3A_44 = tpu.memref_slice %arg4[%mul3A_2, %dma_start3A_43] : memref<2560x128xi32, #tpu.memory_space<hbm>> -> memref<8x128xi32, #tpu.memory_space<hbm>>
      tpu.enqueue_dma source(%dma_start3A_44 : memref<8x128xi32, #tpu.memory_space<hbm>>) target(%dma_start3A_42 : memref<8x128xi32, #tpu.memory_space<vmem>>) target_semaphore(%run_scoped3A_32 : memref<!tpu.dma_semaphore, #tpu.memory_space<semaphore_mem>>)
      %dma_wait3A = arith.constant 0 : i32
      %dma_wait3A_45 = arith.constant 0 : i32
      %dma_wait3A_46 = tpu.memref_slice %arg9[%run_scoped3A_5, %dma_wait3A, %dma_wait3A_45] : memref<2x8x128xi32, #tpu.memory_space<vmem>> -> memref<1x8x128xi32, #tpu.memory_space<vmem>>
      %dma_wait3A_47 = tpu.memref_squeeze %dma_wait3A_46 : memref<1x8x128xi32, #tpu.memory_space<vmem>> -> memref<8x128xi32, #tpu.memory_space<vmem>>
      %dma_wait3A_48 = arith.constant 0 : i32
      %dma_wait3A_49 = tpu.memref_slice %arg4[%mul3A_2, %dma_wait3A_48] : memref<2560x128xi32, #tpu.memory_space<hbm>> -> memref<8x128xi32, #tpu.memory_space<hbm>>
      %dma_wait3A_50 = arith.constant 0 : i32
      %dma_wait3A_51 = arith.constant 0 : i32
      %dma_wait3A_52 = tpu.memref_slice %arg9[%run_scoped3A_5, %dma_wait3A_50, %dma_wait3A_51] : memref<2x8x128xi32, #tpu.memory_space<vmem>> -> memref<1x8x128xi32, #tpu.memory_space<vmem>>
      %dma_wait3A_53 = tpu.memref_squeeze %dma_wait3A_52 : memref<1x8x128xi32, #tpu.memory_space<vmem>> -> memref<8x128xi32, #tpu.memory_space<vmem>>
      %dma_wait3A_54 = arith.constant 0 : i32
      %dma_wait3A_55 = tpu.memref_slice %arg4[%mul3A_2, %dma_wait3A_54] : memref<2560x128xi32, #tpu.memory_space<hbm>> -> memref<8x128xi32, #tpu.memory_space<hbm>>
      tpu.wait_dma2 semaphore(%run_scoped3A_32 : memref<!tpu.dma_semaphore, #tpu.memory_space<semaphore_mem>>) src(%dma_wait3A_55 : memref<8x128xi32, #tpu.memory_space<hbm>>) dst(%dma_wait3A_53 : memref<8x128xi32, #tpu.memory_space<vmem>>)
      tpu.yield
    }) : () -> ()
    %barrier3A = arith.constant 0 : index
    tpu.barrier barrier_id(%barrier3A)
    %dma_start3A = arith.constant 0 : i32
    %dma_start3A_6 = arith.constant 0 : i32
    %dma_start3A_7 = arith.constant 0 : i32
    %dma_start3A_8 = arith.constant 0 : i32
    %dma_start3A_9 = arith.constant 0 : i32
    %dma_start3A_10 = tpu.memref_slice %arg10[%dma_start3A_7, %dma_start3A_8, %dma_start3A_9] : memref<2x128x128xf32, #tpu.memory_space<vmem>> -> memref<1x128x128xf32, #tpu.memory_space<vmem>>
    %dma_start3A_11 = tpu.memref_squeeze %dma_start3A_10 : memref<1x128x128xf32, #tpu.memory_space<vmem>> -> memref<128x128xf32, #tpu.memory_space<vmem>>
    %dma_start3A_12 = arith.constant 0 : i32
    %dma_start3A_13 = arith.constant 0 : i32
    %dma_start3A_14 = tpu.memref_slice %arg8[%dma_start3A, %dma_start3A_12, %dma_start3A_13] : memref<2x8x128xi32, #tpu.memory_space<vmem>> -> memref<1x8x128xi32, #tpu.memory_space<vmem>>
    %dma_start3A_15 = tpu.memref_squeeze %dma_start3A_14 : memref<1x8x128xi32, #tpu.memory_space<vmem>> -> memref<8x128xi32, #tpu.memory_space<vmem>>
    %dma_start3A_16 = arith.constant 0 : i32
    %dma_start3A_17 = tpu.memref_slice %dma_start3A_15[%dma_start3A_6, %dma_start3A_16] : memref<8x128xi32, #tpu.memory_space<vmem>> -> memref<1x128xi32, #tpu.memory_space<vmem>>
    %dma_start3A_18 = tpu.memref_squeeze %dma_start3A_17 : memref<1x128xi32, #tpu.memory_space<vmem>> -> memref<128xi32, #tpu.memory_space<vmem>>
    %dma_start3A_19 = arith.constant 0 : i32
    %dma_start3A_20 = arith.constant 0 : i32
    %dma_start3A_21 = tpu.memref_slice %arg2[%dma_start3A_19, %dma_start3A_20] : memref<10240x128xf32, #tpu.memory_space<hbm>> -> memref<10240x128xf32, #tpu.memory_space<hbm>>
    tpu.enqueue_indirect_dma source(%dma_start3A_21 : memref<10240x128xf32, #tpu.memory_space<hbm>>) target(%dma_start3A_11 : memref<128x128xf32, #tpu.memory_space<vmem>>) offsets(%dma_start3A_18 : memref<128xi32, #tpu.memory_space<vmem>>) semaphore(%arg11 : memref<!tpu.dma_semaphore, #tpu.memory_space<semaphore_mem>>)
    %scan3A = arith.constant 0 : i32
    %scan3A_22 = arith.constant 0 : i32
    %scan3A_23 = arith.constant 80 : i32
    %scan3A_24 = arith.addi %scan3A_22, %scan3A_23 : i32
    %scan3A_25 = arith.constant 1 : i32
    scf.for %scan3A_32 = %scan3A_22 to %scan3A_24 step %scan3A_25  : i32 {
      %jit3A = arith.constant 8 : i32
      %div3A = arith.divsi %scan3A_32, %jit3A : i32
      %sign3A = arith.constant 0 : i32
      %sign3A_33 = arith.cmpi sgt, %scan3A_32, %sign3A : i32
      %sign3A_34 = arith.extui %sign3A_33 : i1 to i32
      %sign3A_35 = arith.constant 0 : i32
      %sign3A_36 = arith.cmpi slt, %scan3A_32, %sign3A_35 : i32
      %sign3A_37 = arith.extui %sign3A_36 : i1 to i32
      %sign3A_38 = arith.subi %sign3A_34, %sign3A_37 : i32
      %sign3A_39 = arith.constant 0 : i32
      %sign3A_40 = arith.cmpi sgt, %jit3A, %sign3A_39 : i32
      %sign3A_41 = arith.extui %sign3A_40 : i1 to i32
      %sign3A_42 = arith.constant 0 : i32
      %sign3A_43 = arith.cmpi slt, %jit3A, %sign3A_42 : i32
      %sign3A_44 = arith.extui %sign3A_43 : i1 to i32
      %sign3A_45 = arith.subi %sign3A_41, %sign3A_44 : i32
      %ne3A = arith.cmpi ne, %sign3A_38, %sign3A_45 : i32
      %rem3A = arith.remsi %scan3A_32, %jit3A : i32
      %ne3A_46 = arith.constant 0 : i32
      %ne3A_47 = arith.cmpi ne, %rem3A, %ne3A_46 : i32
      %and3A = arith.andi %ne3A, %ne3A_47 : i1
      %sub3A = arith.constant 1 : i32
      %sub3A_48 = arith.subi %div3A, %sub3A : i32
      %select_n3A = arith.select %and3A, %sub3A_48, %div3A : i32
      %mul3A_49 = arith.constant 8 : i32
      %mul3A_50 = arith.muli %select_n3A, %mul3A_49 : i32
      %sub3A_51 = arith.subi %scan3A_32, %mul3A_50 : i32
      %rem3A_52 = arith.constant 2 : i32
      %rem3A_53 = arith.remsi %select_n3A, %rem3A_52 : i32
      %add3A_54 = arith.constant 1 : i32
      %add3A_55 = arith.addi %scan3A_32, %add3A_54 : i32
      %jit3A_56 = arith.constant 8 : i32
      %div3A_57 = arith.divsi %add3A_55, %jit3A_56 : i32
      %sign3A_58 = arith.constant 0 : i32
      %sign3A_59 = arith.cmpi sgt, %add3A_55, %sign3A_58 : i32
      %sign3A_60 = arith.extui %sign3A_59 : i1 to i32
      %sign3A_61 = arith.constant 0 : i32
      %sign3A_62 = arith.cmpi slt, %add3A_55, %sign3A_61 : i32
      %sign3A_63 = arith.extui %sign3A_62 : i1 to i32
      %sign3A_64 = arith.subi %sign3A_60, %sign3A_63 : i32
      %sign3A_65 = arith.constant 0 : i32
      %sign3A_66 = arith.cmpi sgt, %jit3A_56, %sign3A_65 : i32
      %sign3A_67 = arith.extui %sign3A_66 : i1 to i32
      %sign3A_68 = arith.constant 0 : i32
      %sign3A_69 = arith.cmpi slt, %jit3A_56, %sign3A_68 : i32
      %sign3A_70 = arith.extui %sign3A_69 : i1 to i32
      %sign3A_71 = arith.subi %sign3A_67, %sign3A_70 : i32
      %ne3A_72 = arith.cmpi ne, %sign3A_64, %sign3A_71 : i32
      %rem3A_73 = arith.remsi %add3A_55, %jit3A_56 : i32
      %ne3A_74 = arith.constant 0 : i32
      %ne3A_75 = arith.cmpi ne, %rem3A_73, %ne3A_74 : i32
      %and3A_76 = arith.andi %ne3A_72, %ne3A_75 : i1
      %sub3A_77 = arith.constant 1 : i32
      %sub3A_78 = arith.subi %div3A_57, %sub3A_77 : i32
      %select_n3A_79 = arith.select %and3A_76, %sub3A_78, %div3A_57 : i32
      %mul3A_80 = arith.constant 8 : i32
      %mul3A_81 = arith.muli %select_n3A_79, %mul3A_80 : i32
      %sub3A_82 = arith.subi %add3A_55, %mul3A_81 : i32
      %rem3A_83 = arith.constant 2 : i32
      %rem3A_84 = arith.remsi %select_n3A_79, %rem3A_83 : i32
      %eq3A = arith.constant 0 : i32
      %eq3A_85 = arith.cmpi eq, %sub3A_51, %eq3A : i32
      %add3A_86 = arith.constant 1 : i32
      %add3A_87 = arith.addi %select_n3A, %add3A_86 : i32
      %lt3A = arith.constant 10 : i32
      %lt3A_88 = arith.cmpi slt, %add3A_87, %lt3A : i32
      %and3A_89 = arith.andi %eq3A_85, %lt3A_88 : i1
      %convert_element_type3A = arith.extui %and3A_89 : i1 to i32
      %cond3A = arith.constant 0 : i32
      %cond3A_90 = arith.cmpi ne, %convert_element_type3A, %cond3A : i32
      scf.if %cond3A_90 {
        %add3A_121 = arith.constant 1 : i32
        %add3A_122 = arith.addi %select_n3A, %add3A_121 : i32
        %mul3A_123 = arith.constant 8 : i32
        %mul3A_124 = arith.muli %add3A_122, %mul3A_123 : i32
        %add3A_125 = arith.addi %mul3A_2, %mul3A_124 : i32
        %sub3A_126 = arith.constant 1 : i32
        %sub3A_127 = arith.subi %sub3A_126, %rem3A_53 : i32
        %dma_start3A_128 = arith.constant 0 : i32
        %dma_start3A_129 = arith.constant 0 : i32
        %dma_start3A_130 = tpu.memref_slice %arg8[%sub3A_127, %dma_start3A_128, %dma_start3A_129] : memref<2x8x128xi32, #tpu.memory_space<vmem>> -> memref<1x8x128xi32, #tpu.memory_space<vmem>>
        %dma_start3A_131 = tpu.memref_squeeze %dma_start3A_130 : memref<1x8x128xi32, #tpu.memory_space<vmem>> -> memref<8x128xi32, #tpu.memory_space<vmem>>
        %dma_start3A_132 = arith.constant 0 : i32
        %dma_start3A_133 = tpu.memref_slice %arg3[%add3A_125, %dma_start3A_132] : memref<2560x128xi32, #tpu.memory_space<hbm>> -> memref<8x128xi32, #tpu.memory_space<hbm>>
        %dma_start3A_134 = arith.constant 0 : i32
        %dma_start3A_135 = arith.constant 0 : i32
        %dma_start3A_136 = tpu.memref_slice %arg8[%sub3A_127, %dma_start3A_134, %dma_start3A_135] : memref<2x8x128xi32, #tpu.memory_space<vmem>> -> memref<1x8x128xi32, #tpu.memory_space<vmem>>
        %dma_start3A_137 = tpu.memref_squeeze %dma_start3A_136 : memref<1x8x128xi32, #tpu.memory_space<vmem>> -> memref<8x128xi32, #tpu.memory_space<vmem>>
        %dma_start3A_138 = arith.constant 0 : i32
        %dma_start3A_139 = tpu.memref_slice %arg3[%add3A_125, %dma_start3A_138] : memref<2560x128xi32, #tpu.memory_space<hbm>> -> memref<8x128xi32, #tpu.memory_space<hbm>>
        tpu.enqueue_dma source(%dma_start3A_139 : memref<8x128xi32, #tpu.memory_space<hbm>>) target(%dma_start3A_137 : memref<8x128xi32, #tpu.memory_space<vmem>>) target_semaphore(%arg12 : memref<!tpu.dma_semaphore, #tpu.memory_space<semaphore_mem>>)
        %sub3A_140 = arith.constant 1 : i32
        %sub3A_141 = arith.subi %sub3A_140, %rem3A_53 : i32
        %dma_start3A_142 = arith.constant 0 : i32
        %dma_start3A_143 = arith.constant 0 : i32
        %dma_start3A_144 = tpu.memref_slice %arg9[%sub3A_141, %dma_start3A_142, %dma_start3A_143] : memref<2x8x128xi32, #tpu.memory_space<vmem>> -> memref<1x8x128xi32, #tpu.memory_space<vmem>>
        %dma_start3A_145 = tpu.memref_squeeze %dma_start3A_144 : memref<1x8x128xi32, #tpu.memory_space<vmem>> -> memref<8x128xi32, #tpu.memory_space<vmem>>
        %dma_start3A_146 = arith.constant 0 : i32
        %dma_start3A_147 = tpu.memref_slice %arg4[%add3A_125, %dma_start3A_146] : memref<2560x128xi32, #tpu.memory_space<hbm>> -> memref<8x128xi32, #tpu.memory_space<hbm>>
        %dma_start3A_148 = arith.constant 0 : i32
        %dma_start3A_149 = arith.constant 0 : i32
        %dma_start3A_150 = tpu.memref_slice %arg9[%sub3A_141, %dma_start3A_148, %dma_start3A_149] : memref<2x8x128xi32, #tpu.memory_space<vmem>> -> memref<1x8x128xi32, #tpu.memory_space<vmem>>
        %dma_start3A_151 = tpu.memref_squeeze %dma_start3A_150 : memref<1x8x128xi32, #tpu.memory_space<vmem>> -> memref<8x128xi32, #tpu.memory_space<vmem>>
        %dma_start3A_152 = arith.constant 0 : i32
        %dma_start3A_153 = tpu.memref_slice %arg4[%add3A_125, %dma_start3A_152] : memref<2560x128xi32, #tpu.memory_space<hbm>> -> memref<8x128xi32, #tpu.memory_space<hbm>>
        tpu.enqueue_dma source(%dma_start3A_153 : memref<8x128xi32, #tpu.memory_space<hbm>>) target(%dma_start3A_151 : memref<8x128xi32, #tpu.memory_space<vmem>>) target_semaphore(%arg12 : memref<!tpu.dma_semaphore, #tpu.memory_space<semaphore_mem>>)
      } else {
      }
      %eq3A_91 = arith.constant 7 : i32
      %eq3A_92 = arith.cmpi eq, %sub3A_51, %eq3A_91 : i32
      %add3A_93 = arith.constant 1 : i32
      %add3A_94 = arith.addi %select_n3A, %add3A_93 : i32
      %lt3A_95 = arith.constant 10 : i32
      %lt3A_96 = arith.cmpi slt, %add3A_94, %lt3A_95 : i32
      %and3A_97 = arith.andi %eq3A_92, %lt3A_96 : i1
      %convert_element_type3A_98 = arith.extui %and3A_97 : i1 to i32
      %cond3A_99 = arith.constant 0 : i32
      %cond3A_100 = arith.cmpi ne, %convert_element_type3A_98, %cond3A_99 : i32
      scf.if %cond3A_100 {
        %add3A_121 = arith.constant 1 : i32
        %add3A_122 = arith.addi %select_n3A, %add3A_121 : i32
        %mul3A_123 = arith.constant 8 : i32
        %mul3A_124 = arith.muli %add3A_122, %mul3A_123 : i32
        %add3A_125 = arith.addi %mul3A_2, %mul3A_124 : i32
        %sub3A_126 = arith.constant 1 : i32
        %sub3A_127 = arith.subi %sub3A_126, %rem3A_53 : i32
        %dma_wait3A_128 = arith.constant 0 : i32
        %dma_wait3A_129 = arith.constant 0 : i32
        %dma_wait3A_130 = tpu.memref_slice %arg8[%sub3A_127, %dma_wait3A_128, %dma_wait3A_129] : memref<2x8x128xi32, #tpu.memory_space<vmem>> -> memref<1x8x128xi32, #tpu.memory_space<vmem>>
        %dma_wait3A_131 = tpu.memref_squeeze %dma_wait3A_130 : memref<1x8x128xi32, #tpu.memory_space<vmem>> -> memref<8x128xi32, #tpu.memory_space<vmem>>
        %dma_wait3A_132 = arith.constant 0 : i32
        %dma_wait3A_133 = tpu.memref_slice %arg3[%add3A_125, %dma_wait3A_132] : memref<2560x128xi32, #tpu.memory_space<hbm>> -> memref<8x128xi32, #tpu.memory_space<hbm>>
        %dma_wait3A_134 = arith.constant 0 : i32
        %dma_wait3A_135 = arith.constant 0 : i32
        %dma_wait3A_136 = tpu.memref_slice %arg8[%sub3A_127, %dma_wait3A_134, %dma_wait3A_135] : memref<2x8x128xi32, #tpu.memory_space<vmem>> -> memref<1x8x128xi32, #tpu.memory_space<vmem>>
        %dma_wait3A_137 = tpu.memref_squeeze %dma_wait3A_136 : memref<1x8x128xi32, #tpu.memory_space<vmem>> -> memref<8x128xi32, #tpu.memory_space<vmem>>
        %dma_wait3A_138 = arith.constant 0 : i32
        %dma_wait3A_139 = tpu.memref_slice %arg3[%add3A_125, %dma_wait3A_138] : memref<2560x128xi32, #tpu.memory_space<hbm>> -> memref<8x128xi32, #tpu.memory_space<hbm>>
        tpu.wait_dma2 semaphore(%arg12 : memref<!tpu.dma_semaphore, #tpu.memory_space<semaphore_mem>>) src(%dma_wait3A_139 : memref<8x128xi32, #tpu.memory_space<hbm>>) dst(%dma_wait3A_137 : memref<8x128xi32, #tpu.memory_space<vmem>>)
        %sub3A_140 = arith.constant 1 : i32
        %sub3A_141 = arith.subi %sub3A_140, %rem3A_53 : i32
        %dma_wait3A_142 = arith.constant 0 : i32
        %dma_wait3A_143 = arith.constant 0 : i32
        %dma_wait3A_144 = tpu.memref_slice %arg9[%sub3A_141, %dma_wait3A_142, %dma_wait3A_143] : memref<2x8x128xi32, #tpu.memory_space<vmem>> -> memref<1x8x128xi32, #tpu.memory_space<vmem>>
        %dma_wait3A_145 = tpu.memref_squeeze %dma_wait3A_144 : memref<1x8x128xi32, #tpu.memory_space<vmem>> -> memref<8x128xi32, #tpu.memory_space<vmem>>
        %dma_wait3A_146 = arith.constant 0 : i32
        %dma_wait3A_147 = tpu.memref_slice %arg4[%add3A_125, %dma_wait3A_146] : memref<2560x128xi32, #tpu.memory_space<hbm>> -> memref<8x128xi32, #tpu.memory_space<hbm>>
        %dma_wait3A_148 = arith.constant 0 : i32
        %dma_wait3A_149 = arith.constant 0 : i32
        %dma_wait3A_150 = tpu.memref_slice %arg9[%sub3A_141, %dma_wait3A_148, %dma_wait3A_149] : memref<2x8x128xi32, #tpu.memory_space<vmem>> -> memref<1x8x128xi32, #tpu.memory_space<vmem>>
        %dma_wait3A_151 = tpu.memref_squeeze %dma_wait3A_150 : memref<1x8x128xi32, #tpu.memory_space<vmem>> -> memref<8x128xi32, #tpu.memory_space<vmem>>
        %dma_wait3A_152 = arith.constant 0 : i32
        %dma_wait3A_153 = tpu.memref_slice %arg4[%add3A_125, %dma_wait3A_152] : memref<2560x128xi32, #tpu.memory_space<hbm>> -> memref<8x128xi32, #tpu.memory_space<hbm>>
        tpu.wait_dma2 semaphore(%arg12 : memref<!tpu.dma_semaphore, #tpu.memory_space<semaphore_mem>>) src(%dma_wait3A_153 : memref<8x128xi32, #tpu.memory_space<hbm>>) dst(%dma_wait3A_151 : memref<8x128xi32, #tpu.memory_space<vmem>>)
      } else {
      }
      %lt3A_101 = arith.constant 80 : i32
      %lt3A_102 = arith.cmpi slt, %add3A_55, %lt3A_101 : i32
      %convert_element_type3A_103 = arith.extui %lt3A_102 : i1 to i32
      %cond3A_104 = arith.constant 0 : i32
      %cond3A_105 = arith.cmpi ne, %convert_element_type3A_103, %cond3A_104 : i32
      scf.if %cond3A_105 {
        %rem3A_121 = arith.constant 2 : i32
        %rem3A_122 = arith.remsi %add3A_55, %rem3A_121 : i32
        %dma_start3A_123 = arith.constant 0 : i32
        %dma_start3A_124 = arith.constant 0 : i32
        %dma_start3A_125 = tpu.memref_slice %arg10[%rem3A_122, %dma_start3A_123, %dma_start3A_124] : memref<2x128x128xf32, #tpu.memory_space<vmem>> -> memref<1x128x128xf32, #tpu.memory_space<vmem>>
        %dma_start3A_126 = tpu.memref_squeeze %dma_start3A_125 : memref<1x128x128xf32, #tpu.memory_space<vmem>> -> memref<128x128xf32, #tpu.memory_space<vmem>>
        %dma_start3A_127 = arith.constant 0 : i32
        %dma_start3A_128 = arith.constant 0 : i32
        %dma_start3A_129 = tpu.memref_slice %arg8[%rem3A_84, %dma_start3A_127, %dma_start3A_128] : memref<2x8x128xi32, #tpu.memory_space<vmem>> -> memref<1x8x128xi32, #tpu.memory_space<vmem>>
        %dma_start3A_130 = tpu.memref_squeeze %dma_start3A_129 : memref<1x8x128xi32, #tpu.memory_space<vmem>> -> memref<8x128xi32, #tpu.memory_space<vmem>>
        %dma_start3A_131 = arith.constant 0 : i32
        %dma_start3A_132 = tpu.memref_slice %dma_start3A_130[%sub3A_82, %dma_start3A_131] : memref<8x128xi32, #tpu.memory_space<vmem>> -> memref<1x128xi32, #tpu.memory_space<vmem>>
        %dma_start3A_133 = tpu.memref_squeeze %dma_start3A_132 : memref<1x128xi32, #tpu.memory_space<vmem>> -> memref<128xi32, #tpu.memory_space<vmem>>
        %dma_start3A_134 = arith.constant 0 : i32
        %dma_start3A_135 = arith.constant 0 : i32
        %dma_start3A_136 = tpu.memref_slice %arg2[%dma_start3A_134, %dma_start3A_135] : memref<10240x128xf32, #tpu.memory_space<hbm>> -> memref<10240x128xf32, #tpu.memory_space<hbm>>
        tpu.enqueue_indirect_dma source(%dma_start3A_136 : memref<10240x128xf32, #tpu.memory_space<hbm>>) target(%dma_start3A_126 : memref<128x128xf32, #tpu.memory_space<vmem>>) offsets(%dma_start3A_133 : memref<128xi32, #tpu.memory_space<vmem>>) semaphore(%arg11 : memref<!tpu.dma_semaphore, #tpu.memory_space<semaphore_mem>>)
      } else {
      }
      %rem3A_106 = arith.constant 2 : i32
      %rem3A_107 = arith.remsi %scan3A_32, %rem3A_106 : i32
      %dma_wait3A = arith.constant 0 : i32
      %dma_wait3A_108 = arith.constant 0 : i32
      %dma_wait3A_109 = tpu.memref_slice %arg10[%rem3A_107, %dma_wait3A, %dma_wait3A_108] : memref<2x128x128xf32, #tpu.memory_space<vmem>> -> memref<1x128x128xf32, #tpu.memory_space<vmem>>
      %dma_wait3A_110 = tpu.memref_squeeze %dma_wait3A_109 : memref<1x128x128xf32, #tpu.memory_space<vmem>> -> memref<128x128xf32, #tpu.memory_space<vmem>>
      %dma_wait3A_111 = arith.constant 0 : i32
      %dma_wait3A_112 = arith.constant 0 : i32
      %dma_wait3A_113 = tpu.memref_slice %arg8[%rem3A_53, %dma_wait3A_111, %dma_wait3A_112] : memref<2x8x128xi32, #tpu.memory_space<vmem>> -> memref<1x8x128xi32, #tpu.memory_space<vmem>>
      %dma_wait3A_114 = tpu.memref_squeeze %dma_wait3A_113 : memref<1x8x128xi32, #tpu.memory_space<vmem>> -> memref<8x128xi32, #tpu.memory_space<vmem>>
      %dma_wait3A_115 = arith.constant 0 : i32
      %dma_wait3A_116 = tpu.memref_slice %dma_wait3A_114[%sub3A_51, %dma_wait3A_115] : memref<8x128xi32, #tpu.memory_space<vmem>> -> memref<1x128xi32, #tpu.memory_space<vmem>>
      %dma_wait3A_117 = tpu.memref_squeeze %dma_wait3A_116 : memref<1x128xi32, #tpu.memory_space<vmem>> -> memref<128xi32, #tpu.memory_space<vmem>>
      %dma_wait3A_118 = arith.constant 0 : i32
      %dma_wait3A_119 = arith.constant 0 : i32
      %dma_wait3A_120 = tpu.memref_slice %arg2[%dma_wait3A_118, %dma_wait3A_119] : memref<10240x128xf32, #tpu.memory_space<hbm>> -> memref<10240x128xf32, #tpu.memory_space<hbm>>
      tpu.wait_indirect_dma semaphore(%arg11 : memref<!tpu.dma_semaphore, #tpu.memory_space<semaphore_mem>>) src(%dma_wait3A_120 : memref<10240x128xf32, #tpu.memory_space<hbm>>) dst(%dma_wait3A_110 : memref<128x128xf32, #tpu.memory_space<vmem>>)
      "tpu.region"() ({
        %run_scoped3A_121 = tpu.sem_alloc : memref<!tpu.dma_semaphore, #tpu.memory_space<semaphore_mem>>
        %dma_start3A_122 = arith.constant 0 : i32
        %dma_start3A_123 = arith.constant 0 : i32
        %dma_start3A_124 = tpu.memref_slice %arg10[%rem3A_107, %dma_start3A_122, %dma_start3A_123] : memref<2x128x128xf32, #tpu.memory_space<vmem>> -> memref<1x128x128xf32, #tpu.memory_space<vmem>>
        %dma_start3A_125 = tpu.memref_squeeze %dma_start3A_124 : memref<1x128x128xf32, #tpu.memory_space<vmem>> -> memref<128x128xf32, #tpu.memory_space<vmem>>
        %dma_start3A_126 = arith.constant 0 : i32
        %dma_start3A_127 = arith.constant 0 : i32
        %dma_start3A_128 = tpu.memref_slice %arg9[%rem3A_53, %dma_start3A_126, %dma_start3A_127] : memref<2x8x128xi32, #tpu.memory_space<vmem>> -> memref<1x8x128xi32, #tpu.memory_space<vmem>>
        %dma_start3A_129 = tpu.memref_squeeze %dma_start3A_128 : memref<1x8x128xi32, #tpu.memory_space<vmem>> -> memref<8x128xi32, #tpu.memory_space<vmem>>
        %dma_start3A_130 = arith.constant 0 : i32
        %dma_start3A_131 = tpu.memref_slice %dma_start3A_129[%sub3A_51, %dma_start3A_130] : memref<8x128xi32, #tpu.memory_space<vmem>> -> memref<1x128xi32, #tpu.memory_space<vmem>>
        %dma_start3A_132 = tpu.memref_squeeze %dma_start3A_131 : memref<1x128xi32, #tpu.memory_space<vmem>> -> memref<128xi32, #tpu.memory_space<vmem>>
        %dma_start3A_133 = arith.constant 0 : i32
        %dma_start3A_134 = arith.constant 0 : i32
        %dma_start3A_135 = tpu.memref_slice %arg7[%dma_start3A_133, %dma_start3A_134] : memref<10240x128xf32, #tpu.memory_space<vmem_shared>> -> memref<10240x128xf32, #tpu.memory_space<vmem_shared>>
        tpu.enqueue_indirect_dma source(%dma_start3A_125 : memref<128x128xf32, #tpu.memory_space<vmem>>) target(%dma_start3A_135 : memref<10240x128xf32, #tpu.memory_space<vmem_shared>>) offsets(%dma_start3A_132 : memref<128xi32, #tpu.memory_space<vmem>>) semaphore(%run_scoped3A_121 : memref<!tpu.dma_semaphore, #tpu.memory_space<semaphore_mem>>) {add = true}
        %dma_wait3A_136 = arith.constant 0 : i32
        %dma_wait3A_137 = arith.constant 0 : i32
        %dma_wait3A_138 = tpu.memref_slice %arg10[%rem3A_107, %dma_wait3A_136, %dma_wait3A_137] : memref<2x128x128xf32, #tpu.memory_space<vmem>> -> memref<1x128x128xf32, #tpu.memory_space<vmem>>
        %dma_wait3A_139 = tpu.memref_squeeze %dma_wait3A_138 : memref<1x128x128xf32, #tpu.memory_space<vmem>> -> memref<128x128xf32, #tpu.memory_space<vmem>>
        %dma_wait3A_140 = arith.constant 0 : i32
        %dma_wait3A_141 = arith.constant 0 : i32
        %dma_wait3A_142 = tpu.memref_slice %arg9[%rem3A_53, %dma_wait3A_140, %dma_wait3A_141] : memref<2x8x128xi32, #tpu.memory_space<vmem>> -> memref<1x8x128xi32, #tpu.memory_space<vmem>>
        %dma_wait3A_143 = tpu.memref_squeeze %dma_wait3A_142 : memref<1x8x128xi32, #tpu.memory_space<vmem>> -> memref<8x128xi32, #tpu.memory_space<vmem>>
        %dma_wait3A_144 = arith.constant 0 : i32
        %dma_wait3A_145 = tpu.memref_slice %dma_wait3A_143[%sub3A_51, %dma_wait3A_144] : memref<8x128xi32, #tpu.memory_space<vmem>> -> memref<1x128xi32, #tpu.memory_space<vmem>>
        %dma_wait3A_146 = tpu.memref_squeeze %dma_wait3A_145 : memref<1x128xi32, #tpu.memory_space<vmem>> -> memref<128xi32, #tpu.memory_space<vmem>>
        %dma_wait3A_147 = arith.constant 0 : i32
        %dma_wait3A_148 = arith.constant 0 : i32
        %dma_wait3A_149 = tpu.memref_slice %arg7[%dma_wait3A_147, %dma_wait3A_148] : memref<10240x128xf32, #tpu.memory_space<vmem_shared>> -> memref<10240x128xf32, #tpu.memory_space<vmem_shared>>
        tpu.wait_indirect_dma semaphore(%run_scoped3A_121 : memref<!tpu.dma_semaphore, #tpu.memory_space<semaphore_mem>>) src(%dma_wait3A_139 : memref<128x128xf32, #tpu.memory_space<vmem>>) dst(%dma_wait3A_149 : memref<10240x128xf32, #tpu.memory_space<vmem_shared>>)
        tpu.yield
      }) : () -> ()
    }
    %scan3A_26 = arith.constant 80 : i32
    %barrier3A_27 = arith.constant 0 : index
    tpu.barrier barrier_id(%barrier3A_27)
    %mul3A_28 = arith.constant 640 : i32
    %mul3A_29 = arith.muli %arg1, %mul3A_28 : i32
    %mul3A_30 = arith.constant 640 : i32
    %mul3A_31 = arith.muli %arg1, %mul3A_30 : i32
    "tpu.region"() ({
      %run_scoped3A_32 = tpu.sem_alloc : memref<!tpu.dma_semaphore, #tpu.memory_space<semaphore_mem>>
      %dma_start3A_33 = arith.constant 0 : i32
      %dma_start3A_34 = tpu.memref_slice %arg6[%arg0, %mul3A_31, %dma_start3A_33] : memref<2x10240x128xf32, #tpu.memory_space<hbm>> -> memref<1x640x128xf32, #tpu.memory_space<hbm>>
      %dma_start3A_35 = tpu.memref_squeeze %dma_start3A_34 : memref<1x640x128xf32, #tpu.memory_space<hbm>> -> memref<640x128xf32, #tpu.memory_space<hbm>>
      %dma_start3A_36 = arith.constant 0 : i32
      %dma_start3A_37 = tpu.memref_slice %arg7[%mul3A_29, %dma_start3A_36] : memref<10240x128xf32, #tpu.memory_space<vmem_shared>> -> memref<640x128xf32, #tpu.memory_space<vmem_shared>>
      tpu.enqueue_dma source(%dma_start3A_37 : memref<640x128xf32, #tpu.memory_space<vmem_shared>>) target(%dma_start3A_35 : memref<640x128xf32, #tpu.memory_space<hbm>>) target_semaphore(%run_scoped3A_32 : memref<!tpu.dma_semaphore, #tpu.memory_space<semaphore_mem>>)
      %dma_wait3A = arith.constant 0 : i32
      %dma_wait3A_38 = tpu.memref_slice %arg6[%arg0, %mul3A_31, %dma_wait3A] : memref<2x10240x128xf32, #tpu.memory_space<hbm>> -> memref<1x640x128xf32, #tpu.memory_space<hbm>>
      %dma_wait3A_39 = tpu.memref_squeeze %dma_wait3A_38 : memref<1x640x128xf32, #tpu.memory_space<hbm>> -> memref<640x128xf32, #tpu.memory_space<hbm>>
      %dma_wait3A_40 = arith.constant 0 : i32
      %dma_wait3A_41 = tpu.memref_slice %arg7[%mul3A_29, %dma_wait3A_40] : memref<10240x128xf32, #tpu.memory_space<vmem_shared>> -> memref<640x128xf32, #tpu.memory_space<vmem_shared>>
      tpu.wait_dma2 semaphore(%run_scoped3A_32 : memref<!tpu.dma_semaphore, #tpu.memory_space<semaphore_mem>>) src(%dma_wait3A_41 : memref<640x128xf32, #tpu.memory_space<vmem_shared>>) dst(%dma_wait3A_39 : memref<640x128xf32, #tpu.memory_space<hbm>>)
      tpu.yield
    }) : () -> ()
    return
  }
}

module attributes {stable_mosaic.version = 14 : i64} {
  func.func @_wgen_body(%arg0: memref<1x16xf32, #tpu.memory_space<vmem>>, %arg1: memref<1x16xf32, #tpu.memory_space<vmem>>, %arg2: memref<1x16xf32, #tpu.memory_space<vmem>>, %arg3: memref<1x16xf32, #tpu.memory_space<vmem>>, %arg4: memref<1x16xf32, #tpu.memory_space<vmem>>, %arg5: memref<1x16xf32, #tpu.memory_space<vmem>>, %arg6: memref<16x16384xf32, #tpu.memory_space<vmem>>, %arg7: memref<1x16384xf32, #tpu.memory_space<vmem>>, %arg8: memref<1x16384xf32, #tpu.memory_space<vmem>>) attributes {dimension_semantics = [], scalar_prefetch = 0 : i64, scratch_operands = 0 : i64, tpu.core_type = #tpu.core_type<tc>} {
    %get3A = arith.constant 0 : index
    %get3A_0 = arith.constant 0 : index
    %get3A_1 = vector.load %arg1[%get3A, %get3A_0] : memref<1x16xf32, #tpu.memory_space<vmem>>, vector<1x16xf32>
    %get3A_2 = arith.constant 0 : index
    %get3A_3 = arith.constant 0 : index
    %get3A_4 = vector.load %arg4[%get3A_2, %get3A_3] : memref<1x16xf32, #tpu.memory_space<vmem>>, vector<1x16xf32>
    %add3A = arith.addf %get3A_1, %get3A_4 : vector<1x16xf32>
    %logistic3A = arith.negf %add3A : vector<1x16xf32>
    %logistic3A_5 = math.exp %logistic3A : vector<1x16xf32>
    %logistic3A_6 = arith.constant 1.000000e+00 : f32
    %logistic3A_7 = vector.broadcast %logistic3A_6 : f32 to vector<1x16xf32>
    %logistic3A_8 = arith.addf %logistic3A_7, %logistic3A_5 : vector<1x16xf32>
    %logistic3A_9 = arith.divf %logistic3A_7, %logistic3A_8 : vector<1x16xf32>
    %get3A_10 = arith.constant 0 : index
    %get3A_11 = arith.constant 0 : index
    %get3A_12 = vector.load %arg0[%get3A_10, %get3A_11] : memref<1x16xf32, #tpu.memory_space<vmem>>, vector<1x16xf32>
    %get3A_13 = arith.constant 0 : index
    %get3A_14 = arith.constant 0 : index
    %get3A_15 = vector.load %arg3[%get3A_13, %get3A_14] : memref<1x16xf32, #tpu.memory_space<vmem>>, vector<1x16xf32>
    %add3A_16 = arith.addf %get3A_12, %get3A_15 : vector<1x16xf32>
    %logistic3A_17 = arith.negf %add3A_16 : vector<1x16xf32>
    %logistic3A_18 = math.exp %logistic3A_17 : vector<1x16xf32>
    %logistic3A_19 = arith.constant 1.000000e+00 : f32
    %logistic3A_20 = vector.broadcast %logistic3A_19 : f32 to vector<1x16xf32>
    %logistic3A_21 = arith.addf %logistic3A_20, %logistic3A_18 : vector<1x16xf32>
    %logistic3A_22 = arith.divf %logistic3A_20, %logistic3A_21 : vector<1x16xf32>
    %get3A_23 = arith.constant 0 : index
    %get3A_24 = arith.constant 0 : index
    %get3A_25 = vector.load %arg2[%get3A_23, %get3A_24] : memref<1x16xf32, #tpu.memory_space<vmem>>, vector<1x16xf32>
    %get3A_26 = arith.constant 0 : index
    %get3A_27 = arith.constant 0 : index
    %get3A_28 = vector.load %arg5[%get3A_26, %get3A_27] : memref<1x16xf32, #tpu.memory_space<vmem>>, vector<1x16xf32>
    %mul3A = arith.mulf %logistic3A_22, %get3A_28 : vector<1x16xf32>
    %add3A_29 = arith.addf %get3A_25, %mul3A : vector<1x16xf32>
    %tanh3A = math.tanh %add3A_29 : vector<1x16xf32>
    %sub3A = arith.constant 1.000000e+00 : f32
    %sub3A_30 = vector.broadcast %sub3A : f32 to vector<1x16xf32>
    %sub3A_31 = arith.subf %sub3A_30, %logistic3A_9 : vector<1x16xf32>
    %mul3A_32 = arith.mulf %sub3A_31, %tanh3A : vector<1x16xf32>
    %get3A_33 = arith.constant 0 : index
    %get3A_34 = arith.constant 0 : index
    %get3A_35 = vector.load %arg6[%get3A_33, %get3A_34] : memref<16x16384xf32, #tpu.memory_space<vmem>>, vector<16x16384xf32>
    %dot_general3A = arith.constant dense<0.000000e+00> : vector<1x16384xf32>
    %dot_general3A_36 = tpu.matmul %mul3A_32, %get3A_35, %dot_general3A {dimension_numbers = #tpu.dot_dimension_numbers<[1], [0], [0], [1], [0, 0, 1, 1], [], []>, transpose_lhs_hint = false} : vector<1x16xf32>, vector<16x16384xf32>, vector<1x16384xf32> -> vector<1x16384xf32>
    %get3A_37 = arith.constant 0 : index
    %get3A_38 = arith.constant 0 : index
    %get3A_39 = vector.load %arg7[%get3A_37, %get3A_38] : memref<1x16384xf32, #tpu.memory_space<vmem>>, vector<1x16384xf32>
    %add3A_40 = arith.addf %dot_general3A_36, %get3A_39 : vector<1x16384xf32>
    %swap3A = arith.constant 0 : index
    %swap3A_41 = arith.constant 0 : index
    %swap3A_42 = vector.load %arg8[%swap3A, %swap3A_41] : memref<1x16384xf32, #tpu.memory_space<vmem>>, vector<1x16384xf32>
    tpu.vector_store %arg8[%swap3A, %swap3A_41], %add3A_40 {strides = array<i32>} : memref<1x16384xf32, #tpu.memory_space<vmem>>, vector<1x16384xf32>,
    return
  }
}

module attributes {stable_mosaic.version = 14 : i64} {
  func.func @_stage_a_body(%arg0: i32, %arg1: memref<512x128xf32, #tpu.memory_space<vmem>>, %arg2: memref<128x256xf32, #tpu.memory_space<vmem>>, %arg3: memref<1x256xf32, #tpu.memory_space<vmem>>, %arg4: memref<256x128xf32, #tpu.memory_space<vmem>>, %arg5: memref<1x128xf32, #tpu.memory_space<vmem>>, %arg6: memref<128x128xf32, #tpu.memory_space<vmem>>, %arg7: memref<512x2xf32, #tpu.memory_space<vmem>>, %arg8: memref<512x128xf32, #tpu.memory_space<vmem>>, %arg9: memref<512x1xf32, #tpu.memory_space<vmem>>) attributes {dimension_semantics = [#tpu.dimension_semantics<arbitrary>], iteration_bounds = array<i64: 20>, scalar_prefetch = 0 : i64, scratch_operands = 0 : i64, tpu.core_type = #tpu.core_type<tc>, window_params = [{transform_indices = @transform_0, window_bounds = array<i64: 512, 128>}, {pipeline_mode = #tpu.pipeline_mode<synchronous>, transform_indices = @transform_1, window_bounds = array<i64: 128, 256>}, {pipeline_mode = #tpu.pipeline_mode<synchronous>, transform_indices = @transform_2, window_bounds = array<i64: 1, 256>}, {pipeline_mode = #tpu.pipeline_mode<synchronous>, transform_indices = @transform_3, window_bounds = array<i64: 256, 128>}, {pipeline_mode = #tpu.pipeline_mode<synchronous>, transform_indices = @transform_4, window_bounds = array<i64: 1, 128>}, {pipeline_mode = #tpu.pipeline_mode<synchronous>, transform_indices = @transform_5, window_bounds = array<i64: 128, 128>}, {transform_indices = @transform_6, window_bounds = array<i64: 512, 2>}, {transform_indices = @transform_7, window_bounds = array<i64: 512, 128>}, {transform_indices = @transform_8, window_bounds = array<i64: 512, 1>}]} {
    %get3A = arith.constant 0 : index
    %get3A_0 = arith.constant 0 : index
    %get3A_1 = vector.load %arg7[%get3A, %get3A_0] : memref<512x2xf32, #tpu.memory_space<vmem>>, vector<512x2xf32>
    %reduce_sum3A = arith.constant dense<0.000000e+00> : vector<512xf32>
    %reduce_sum3A_2 = vector.multi_reduction <add>, %get3A_1, %reduce_sum3A [1] : vector<512x2xf32> to vector<512xf32>
    %broadcast_in_dim3A = vector.shape_cast %reduce_sum3A_2 : vector<512xf32> to vector<512x1xf32>
    %add3A = arith.constant 1.000000e+00 : f32
    %add3A_3 = vector.broadcast %add3A : f32 to vector<512x1xf32>
    %add3A_4 = arith.addf %broadcast_in_dim3A, %add3A_3 : vector<512x1xf32>
    %rsqrt3A = math.rsqrt %add3A_4 : vector<512x1xf32>
    %get3A_5 = arith.constant 0 : index
    %get3A_6 = arith.constant 0 : index
    %get3A_7 = vector.load %arg1[%get3A_5, %get3A_6] : memref<512x128xf32, #tpu.memory_space<vmem>>, vector<512x128xf32>
    %get3A_8 = arith.constant 0 : index
    %get3A_9 = arith.constant 0 : index
    %get3A_10 = vector.load %arg2[%get3A_8, %get3A_9] : memref<128x256xf32, #tpu.memory_space<vmem>>, vector<128x256xf32>
    %dot_general3A = arith.constant dense<0.000000e+00> : vector<512x256xf32>
    %dot_general3A_11 = tpu.matmul %get3A_7, %get3A_10, %dot_general3A {dimension_numbers = #tpu.dot_dimension_numbers<[1], [0], [0], [1], [0, 0, 1, 1], [], []>, transpose_lhs_hint = false} : vector<512x128xf32>, vector<128x256xf32>, vector<512x256xf32> -> vector<512x256xf32>
    %get3A_12 = arith.constant 0 : index
    %get3A_13 = arith.constant 0 : index
    %get3A_14 = vector.load %arg3[%get3A_12, %get3A_13] : memref<1x256xf32, #tpu.memory_space<vmem>>, vector<1x256xf32>
    %add3A_15 = vector.broadcast %get3A_14 : vector<1x256xf32> to vector<512x256xf32>
    %add3A_16 = arith.addf %dot_general3A_11, %add3A_15 : vector<512x256xf32>
    %gt3A = arith.constant 0.000000e+00 : f32
    %gt3A_17 = vector.broadcast %gt3A : f32 to vector<512x256xf32>
    %gt3A_18 = arith.cmpf ogt, %add3A_16, %gt3A_17 : vector<512x256xf32>
    %mul3A = arith.constant 0.00999999977 : f32
    %mul3A_19 = vector.broadcast %mul3A : f32 to vector<512x256xf32>
    %mul3A_20 = arith.mulf %mul3A_19, %add3A_16 : vector<512x256xf32>
    %select_n3A = arith.select %gt3A_18, %add3A_16, %mul3A_20 : vector<512x256xi1>, vector<512x256xf32>
    %get3A_21 = arith.constant 0 : index
    %get3A_22 = arith.constant 0 : index
    %get3A_23 = vector.load %arg4[%get3A_21, %get3A_22] : memref<256x128xf32, #tpu.memory_space<vmem>>, vector<256x128xf32>
    %dot_general3A_24 = arith.constant dense<0.000000e+00> : vector<512x128xf32>
    %dot_general3A_25 = tpu.matmul %select_n3A, %get3A_23, %dot_general3A_24 {dimension_numbers = #tpu.dot_dimension_numbers<[1], [0], [0], [1], [0, 0, 1, 1], [], []>, transpose_lhs_hint = false} : vector<512x256xf32>, vector<256x128xf32>, vector<512x128xf32> -> vector<512x128xf32>
    %get3A_26 = arith.constant 0 : index
    %get3A_27 = arith.constant 0 : index
    %get3A_28 = vector.load %arg5[%get3A_26, %get3A_27] : memref<1x128xf32, #tpu.memory_space<vmem>>, vector<1x128xf32>
    %add3A_29 = vector.broadcast %get3A_28 : vector<1x128xf32> to vector<512x128xf32>
    %add3A_30 = arith.addf %dot_general3A_25, %add3A_29 : vector<512x128xf32>
    %gt3A_31 = arith.constant 0.000000e+00 : f32
    %gt3A_32 = vector.broadcast %gt3A_31 : f32 to vector<512x128xf32>
    %gt3A_33 = arith.cmpf ogt, %add3A_30, %gt3A_32 : vector<512x128xf32>
    %mul3A_34 = arith.constant 0.00999999977 : f32
    %mul3A_35 = vector.broadcast %mul3A_34 : f32 to vector<512x128xf32>
    %mul3A_36 = arith.mulf %mul3A_35, %add3A_30 : vector<512x128xf32>
    %select_n3A_37 = arith.select %gt3A_33, %add3A_30, %mul3A_36 : vector<512x128xi1>, vector<512x128xf32>
    %get3A_38 = arith.constant 0 : index
    %get3A_39 = arith.constant 0 : index
    %get3A_40 = vector.load %arg6[%get3A_38, %get3A_39] : memref<128x128xf32, #tpu.memory_space<vmem>>, vector<128x128xf32>
    %dot_general3A_41 = arith.constant dense<0.000000e+00> : vector<512x128xf32>
    %dot_general3A_42 = tpu.matmul %select_n3A_37, %get3A_40, %dot_general3A_41 {dimension_numbers = #tpu.dot_dimension_numbers<[1], [0], [0], [1], [0, 0, 1, 1], [], []>, transpose_lhs_hint = false} : vector<512x128xf32>, vector<128x128xf32>, vector<512x128xf32> -> vector<512x128xf32>
    %mul3A_43 = vector.broadcast %rsqrt3A : vector<512x1xf32> to vector<512x128xf32>
    %mul3A_44 = arith.mulf %mul3A_43, %dot_general3A_42 : vector<512x128xf32>
    %swap3A = arith.constant 0 : index
    %swap3A_45 = arith.constant 0 : index
    %swap3A_46 = vector.load %arg8[%swap3A, %swap3A_45] : memref<512x128xf32, #tpu.memory_space<vmem>>, vector<512x128xf32>
    tpu.vector_store %arg8[%swap3A, %swap3A_45], %mul3A_44 {strides = array<i32>} : memref<512x128xf32, #tpu.memory_space<vmem>>, vector<512x128xf32>,
    %swap3A_47 = arith.constant 0 : index
    %swap3A_48 = arith.constant 0 : index
    %swap3A_49 = vector.load %arg9[%swap3A_47, %swap3A_48] : memref<512x1xf32, #tpu.memory_space<vmem>>, vector<512x1xf32>
    tpu.vector_store %arg9[%swap3A_47, %swap3A_48], %rsqrt3A {strides = array<i32>} : memref<512x1xf32, #tpu.memory_space<vmem>>, vector<512x1xf32>,
    return
  }
  func.func @transform_0(%arg0: i32) -> (i32, i32) {
    %c0_i32 = arith.constant 0 : i32
    %c0_i32_0 = arith.constant 0 : i32
    return %arg0, %c0_i32 : i32, i32
  }
  func.func @transform_1(%arg0: i32) -> (i32, i32) {
    %c0_i32 = arith.constant 0 : i32
    %c0_i32_0 = arith.constant 0 : i32
    %c0_i32_1 = arith.constant 0 : i32
    return %c0_i32, %c0_i32_0 : i32, i32
  }
  func.func @transform_2(%arg0: i32) -> (i32, i32) {
    %c0_i32 = arith.constant 0 : i32
    %c0_i32_0 = arith.constant 0 : i32
    %c0_i32_1 = arith.constant 0 : i32
    return %c0_i32, %c0_i32_0 : i32, i32
  }
  func.func @transform_3(%arg0: i32) -> (i32, i32) {
    %c0_i32 = arith.constant 0 : i32
    %c0_i32_0 = arith.constant 0 : i32
    %c0_i32_1 = arith.constant 0 : i32
    return %c0_i32, %c0_i32_0 : i32, i32
  }
  func.func @transform_4(%arg0: i32) -> (i32, i32) {
    %c0_i32 = arith.constant 0 : i32
    %c0_i32_0 = arith.constant 0 : i32
    %c0_i32_1 = arith.constant 0 : i32
    return %c0_i32, %c0_i32_0 : i32, i32
  }
  func.func @transform_5(%arg0: i32) -> (i32, i32) {
    %c0_i32 = arith.constant 0 : i32
    %c0_i32_0 = arith.constant 0 : i32
    %c0_i32_1 = arith.constant 0 : i32
    return %c0_i32, %c0_i32_0 : i32, i32
  }
  func.func @transform_6(%arg0: i32) -> (i32, i32) {
    %c0_i32 = arith.constant 0 : i32
    %c0_i32_0 = arith.constant 0 : i32
    return %arg0, %c0_i32 : i32, i32
  }
  func.func @transform_7(%arg0: i32) -> (i32, i32) {
    %c0_i32 = arith.constant 0 : i32
    %c0_i32_0 = arith.constant 0 : i32
    return %arg0, %c0_i32 : i32, i32
  }
  func.func @transform_8(%arg0: i32) -> (i32, i32) {
    %c0_i32 = arith.constant 0 : i32
    %c0_i32_0 = arith.constant 0 : i32
    return %arg0, %c0_i32 : i32, i32
  }
}

module attributes {stable_mosaic.version = 14 : i64} {
  func.func @_stage_c_body(%arg0: i32, %arg1: memref<512x128xf32, #tpu.memory_space<vmem>>, %arg2: memref<512x128xf32, #tpu.memory_space<vmem>>, %arg3: memref<512x128xf32, #tpu.memory_space<vmem>>, %arg4: memref<512x1xf32, #tpu.memory_space<vmem>>, %arg5: memref<1x128xf32, #tpu.memory_space<vmem>>, %arg6: memref<128x128xf32, #tpu.memory_space<vmem>>, %arg7: memref<512x128xf32, #tpu.memory_space<vmem>>) attributes {dimension_semantics = [#tpu.dimension_semantics<arbitrary>], iteration_bounds = array<i64: 20>, scalar_prefetch = 0 : i64, scratch_operands = 0 : i64, tpu.core_type = #tpu.core_type<tc>, window_params = [{transform_indices = @transform_0, window_bounds = array<i64: 512, 128>}, {transform_indices = @transform_1, window_bounds = array<i64: 512, 128>}, {transform_indices = @transform_2, window_bounds = array<i64: 512, 128>}, {transform_indices = @transform_3, window_bounds = array<i64: 512, 1>}, {pipeline_mode = #tpu.pipeline_mode<synchronous>, transform_indices = @transform_4, window_bounds = array<i64: 1, 128>}, {pipeline_mode = #tpu.pipeline_mode<synchronous>, transform_indices = @transform_5, window_bounds = array<i64: 128, 128>}, {transform_indices = @transform_6, window_bounds = array<i64: 512, 128>}]} {
    %get3A = arith.constant 0 : index
    %get3A_0 = arith.constant 0 : index
    %get3A_1 = vector.load %arg4[%get3A, %get3A_0] : memref<512x1xf32, #tpu.memory_space<vmem>>, vector<512x1xf32>
    %get3A_2 = arith.constant 0 : index
    %get3A_3 = arith.constant 0 : index
    %get3A_4 = vector.load %arg2[%get3A_2, %get3A_3] : memref<512x128xf32, #tpu.memory_space<vmem>>, vector<512x128xf32>
    %get3A_5 = arith.constant 0 : index
    %get3A_6 = arith.constant 0 : index
    %get3A_7 = vector.load %arg3[%get3A_5, %get3A_6] : memref<512x128xf32, #tpu.memory_space<vmem>>, vector<512x128xf32>
    %add3A = arith.addf %get3A_4, %get3A_7 : vector<512x128xf32>
    %get3A_8 = arith.constant 0 : index
    %get3A_9 = arith.constant 0 : index
    %get3A_10 = vector.load %arg1[%get3A_8, %get3A_9] : memref<512x128xf32, #tpu.memory_space<vmem>>, vector<512x128xf32>
    %add3A_11 = arith.addf %add3A, %get3A_10 : vector<512x128xf32>
    %mul3A = vector.broadcast %get3A_1 : vector<512x1xf32> to vector<512x128xf32>
    %mul3A_12 = arith.mulf %mul3A, %add3A_11 : vector<512x128xf32>
    %get3A_13 = arith.constant 0 : index
    %get3A_14 = arith.constant 0 : index
    %get3A_15 = vector.load %arg5[%get3A_13, %get3A_14] : memref<1x128xf32, #tpu.memory_space<vmem>>, vector<1x128xf32>
    %add3A_16 = vector.broadcast %get3A_15 : vector<1x128xf32> to vector<512x128xf32>
    %add3A_17 = arith.addf %mul3A_12, %add3A_16 : vector<512x128xf32>
    %gt3A = arith.constant 0.000000e+00 : f32
    %gt3A_18 = vector.broadcast %gt3A : f32 to vector<512x128xf32>
    %gt3A_19 = arith.cmpf ogt, %add3A_17, %gt3A_18 : vector<512x128xf32>
    %mul3A_20 = arith.constant 0.00999999977 : f32
    %mul3A_21 = vector.broadcast %mul3A_20 : f32 to vector<512x128xf32>
    %mul3A_22 = arith.mulf %mul3A_21, %add3A_17 : vector<512x128xf32>
    %select_n3A = arith.select %gt3A_19, %add3A_17, %mul3A_22 : vector<512x128xi1>, vector<512x128xf32>
    %get3A_23 = arith.constant 0 : index
    %get3A_24 = arith.constant 0 : index
    %get3A_25 = vector.load %arg6[%get3A_23, %get3A_24] : memref<128x128xf32, #tpu.memory_space<vmem>>, vector<128x128xf32>
    %dot_general3A = arith.constant dense<0.000000e+00> : vector<512x128xf32>
    %dot_general3A_26 = tpu.matmul %select_n3A, %get3A_25, %dot_general3A {dimension_numbers = #tpu.dot_dimension_numbers<[1], [0], [0], [1], [0, 0, 1, 1], [], []>, transpose_lhs_hint = false} : vector<512x128xf32>, vector<128x128xf32>, vector<512x128xf32> -> vector<512x128xf32>
    %mul3A_27 = vector.broadcast %get3A_1 : vector<512x1xf32> to vector<512x128xf32>
    %mul3A_28 = arith.mulf %mul3A_27, %dot_general3A_26 : vector<512x128xf32>
    %swap3A = arith.constant 0 : index
    %swap3A_29 = arith.constant 0 : index
    %swap3A_30 = vector.load %arg7[%swap3A, %swap3A_29] : memref<512x128xf32, #tpu.memory_space<vmem>>, vector<512x128xf32>
    tpu.vector_store %arg7[%swap3A, %swap3A_29], %mul3A_28 {strides = array<i32>} : memref<512x128xf32, #tpu.memory_space<vmem>>, vector<512x128xf32>,
    return
  }
  func.func @transform_0(%arg0: i32) -> (i32, i32) {
    %c0_i32 = arith.constant 0 : i32
    %c0_i32_0 = arith.constant 0 : i32
    return %arg0, %c0_i32 : i32, i32
  }
  func.func @transform_1(%arg0: i32) -> (i32, i32) {
    %c0_i32 = arith.constant 0 : i32
    %c0_i32_0 = arith.constant 0 : i32
    return %arg0, %c0_i32 : i32, i32
  }
  func.func @transform_2(%arg0: i32) -> (i32, i32) {
    %c0_i32 = arith.constant 0 : i32
    %c0_i32_0 = arith.constant 0 : i32
    return %arg0, %c0_i32 : i32, i32
  }
  func.func @transform_3(%arg0: i32) -> (i32, i32) {
    %c0_i32 = arith.constant 0 : i32
    %c0_i32_0 = arith.constant 0 : i32
    return %arg0, %c0_i32 : i32, i32
  }
  func.func @transform_4(%arg0: i32) -> (i32, i32) {
    %c0_i32 = arith.constant 0 : i32
    %c0_i32_0 = arith.constant 0 : i32
    %c0_i32_1 = arith.constant 0 : i32
    return %c0_i32, %c0_i32_0 : i32, i32
  }
  func.func @transform_5(%arg0: i32) -> (i32, i32) {
    %c0_i32 = arith.constant 0 : i32
    %c0_i32_0 = arith.constant 0 : i32
    %c0_i32_1 = arith.constant 0 : i32
    return %c0_i32, %c0_i32_0 : i32, i32
  }
  func.func @transform_6(%arg0: i32) -> (i32, i32) {
    %c0_i32 = arith.constant 0 : i32
    %c0_i32_0 = arith.constant 0 : i32
    return %arg0, %c0_i32 : i32, i32
  }
}

module attributes {stable_mosaic.version = 14 : i64} {
  func.func @_stage_e_body(%arg0: i32, %arg1: memref<512x128xf32, #tpu.memory_space<vmem>>, %arg2: memref<512x128xf32, #tpu.memory_space<vmem>>, %arg3: memref<512x128xf32, #tpu.memory_space<vmem>>, %arg4: memref<512x1xf32, #tpu.memory_space<vmem>>, %arg5: memref<1x128xf32, #tpu.memory_space<vmem>>, %arg6: memref<128x2xf32, #tpu.memory_space<vmem>>, %arg7: memref<1x2xf32, #tpu.memory_space<vmem>>, %arg8: memref<128x1xf32, #tpu.memory_space<vmem>>, %arg9: memref<1x1xf32, #tpu.memory_space<vmem>>, %arg10: memref<512x128xf32, #tpu.memory_space<vmem>>, %arg11: memref<512x1xf32, #tpu.memory_space<vmem>>, %arg12: memref<512x1xf32, #tpu.memory_space<vmem>>) attributes {dimension_semantics = [#tpu.dimension_semantics<arbitrary>], iteration_bounds = array<i64: 20>, scalar_prefetch = 0 : i64, scratch_operands = 0 : i64, tpu.core_type = #tpu.core_type<tc>, window_params = [{transform_indices = @transform_0, window_bounds = array<i64: 512, 128>}, {transform_indices = @transform_1, window_bounds = array<i64: 512, 128>}, {transform_indices = @transform_2, window_bounds = array<i64: 512, 128>}, {transform_indices = @transform_3, window_bounds = array<i64: 512, 1>}, {pipeline_mode = #tpu.pipeline_mode<synchronous>, transform_indices = @transform_4, window_bounds = array<i64: 1, 128>}, {pipeline_mode = #tpu.pipeline_mode<synchronous>, transform_indices = @transform_5, window_bounds = array<i64: 128, 2>}, {pipeline_mode = #tpu.pipeline_mode<synchronous>, transform_indices = @transform_6, window_bounds = array<i64: 1, 2>}, {pipeline_mode = #tpu.pipeline_mode<synchronous>, transform_indices = @transform_7, window_bounds = array<i64: 128, 1>}, {pipeline_mode = #tpu.pipeline_mode<synchronous>, transform_indices = @transform_8, window_bounds = array<i64: 1, 1>}, {transform_indices = @transform_9, window_bounds = array<i64: 512, 128>}, {transform_indices = @transform_10, window_bounds = array<i64: 512, 1>}, {transform_indices = @transform_11, window_bounds = array<i64: 512, 1>}]} {
    %get3A = arith.constant 0 : index
    %get3A_0 = arith.constant 0 : index
    %get3A_1 = vector.load %arg4[%get3A, %get3A_0] : memref<512x1xf32, #tpu.memory_space<vmem>>, vector<512x1xf32>
    %get3A_2 = arith.constant 0 : index
    %get3A_3 = arith.constant 0 : index
    %get3A_4 = vector.load %arg2[%get3A_2, %get3A_3] : memref<512x128xf32, #tpu.memory_space<vmem>>, vector<512x128xf32>
    %get3A_5 = arith.constant 0 : index
    %get3A_6 = arith.constant 0 : index
    %get3A_7 = vector.load %arg3[%get3A_5, %get3A_6] : memref<512x128xf32, #tpu.memory_space<vmem>>, vector<512x128xf32>
    %add3A = arith.addf %get3A_4, %get3A_7 : vector<512x128xf32>
    %get3A_8 = arith.constant 0 : index
    %get3A_9 = arith.constant 0 : index
    %get3A_10 = vector.load %arg1[%get3A_8, %get3A_9] : memref<512x128xf32, #tpu.memory_space<vmem>>, vector<512x128xf32>
    %add3A_11 = arith.addf %add3A, %get3A_10 : vector<512x128xf32>
    %mul3A = vector.broadcast %get3A_1 : vector<512x1xf32> to vector<512x128xf32>
    %mul3A_12 = arith.mulf %mul3A, %add3A_11 : vector<512x128xf32>
    %get3A_13 = arith.constant 0 : index
    %get3A_14 = arith.constant 0 : index
    %get3A_15 = vector.load %arg5[%get3A_13, %get3A_14] : memref<1x128xf32, #tpu.memory_space<vmem>>, vector<1x128xf32>
    %add3A_16 = vector.broadcast %get3A_15 : vector<1x128xf32> to vector<512x128xf32>
    %add3A_17 = arith.addf %mul3A_12, %add3A_16 : vector<512x128xf32>
    %gt3A = arith.constant 0.000000e+00 : f32
    %gt3A_18 = vector.broadcast %gt3A : f32 to vector<512x128xf32>
    %gt3A_19 = arith.cmpf ogt, %add3A_17, %gt3A_18 : vector<512x128xf32>
    %mul3A_20 = arith.constant 0.00999999977 : f32
    %mul3A_21 = vector.broadcast %mul3A_20 : f32 to vector<512x128xf32>
    %mul3A_22 = arith.mulf %mul3A_21, %add3A_17 : vector<512x128xf32>
    %select_n3A = arith.select %gt3A_19, %add3A_17, %mul3A_22 : vector<512x128xi1>, vector<512x128xf32>
    %swap3A = arith.constant 0 : index
    %swap3A_23 = arith.constant 0 : index
    %swap3A_24 = vector.load %arg10[%swap3A, %swap3A_23] : memref<512x128xf32, #tpu.memory_space<vmem>>, vector<512x128xf32>
    tpu.vector_store %arg10[%swap3A, %swap3A_23], %select_n3A {strides = array<i32>} : memref<512x128xf32, #tpu.memory_space<vmem>>, vector<512x128xf32>,
    %get3A_25 = arith.constant 0 : index
    %get3A_26 = arith.constant 0 : index
    %get3A_27 = vector.load %arg6[%get3A_25, %get3A_26] : memref<128x2xf32, #tpu.memory_space<vmem>>, vector<128x2xf32>
    %reduce_sum3A = arith.constant dense<0.000000e+00> : vector<128xf32>
    %reduce_sum3A_28 = vector.multi_reduction <add>, %get3A_27, %reduce_sum3A [1] : vector<128x2xf32> to vector<128xf32>
    %broadcast_in_dim3A = vector.shape_cast %reduce_sum3A_28 : vector<128xf32> to vector<128x1xf32>
    %dot_general3A = arith.constant dense<0.000000e+00> : vector<512x1xf32>
    %dot_general3A_29 = tpu.matmul %select_n3A, %broadcast_in_dim3A, %dot_general3A {dimension_numbers = #tpu.dot_dimension_numbers<[1], [0], [0], [1], [0, 0, 1, 1], [], []>, transpose_lhs_hint = false} : vector<512x128xf32>, vector<128x1xf32>, vector<512x1xf32> -> vector<512x1xf32>
    %get3A_30 = arith.constant 0 : index
    %get3A_31 = arith.constant 0 : index
    %get3A_32 = vector.load %arg7[%get3A_30, %get3A_31] : memref<1x2xf32, #tpu.memory_space<vmem>>, vector<1x2xf32>
    %reduce_sum3A_33 = vector.shape_cast %get3A_32 : vector<1x2xf32> to vector<1x1x2xf32>
    %reduce_sum3A_34 = arith.constant dense<0.000000e+00> : vector<1xf32>
    %reduce_sum3A_35 = vector.multi_reduction <add>, %reduce_sum3A_33, %reduce_sum3A_34 [1, 2] : vector<1x1x2xf32> to vector<1xf32>
    %reduce_sum3A_36 = vector.shape_cast %reduce_sum3A_35 : vector<1xf32> to vector<1x1x1xf32>
    %reduce_sum3A_37 = vector.extract %reduce_sum3A_36[0, 0, 0] : f32 from vector<1x1x1xf32>
    %add3A_38 = vector.broadcast %reduce_sum3A_37 : f32 to vector<512x1xf32>
    %add3A_39 = arith.addf %dot_general3A_29, %add3A_38 : vector<512x1xf32>
    %swap3A_40 = arith.constant 0 : index
    %swap3A_41 = arith.constant 0 : index
    %swap3A_42 = vector.load %arg11[%swap3A_40, %swap3A_41] : memref<512x1xf32, #tpu.memory_space<vmem>>, vector<512x1xf32>
    tpu.vector_store %arg11[%swap3A_40, %swap3A_41], %add3A_39 {strides = array<i32>} : memref<512x1xf32, #tpu.memory_space<vmem>>, vector<512x1xf32>,
    %get3A_43 = arith.constant 0 : index
    %get3A_44 = arith.constant 0 : index
    %get3A_45 = vector.load %arg8[%get3A_43, %get3A_44] : memref<128x1xf32, #tpu.memory_space<vmem>>, vector<128x1xf32>
    %dot_general3A_46 = arith.constant dense<0.000000e+00> : vector<512x1xf32>
    %dot_general3A_47 = tpu.matmul %select_n3A, %get3A_45, %dot_general3A_46 {dimension_numbers = #tpu.dot_dimension_numbers<[1], [0], [0], [1], [0, 0, 1, 1], [], []>, transpose_lhs_hint = false} : vector<512x128xf32>, vector<128x1xf32>, vector<512x1xf32> -> vector<512x1xf32>
    %get3A_48 = arith.constant 0 : index
    %get3A_49 = arith.constant 0 : index
    %get3A_50 = vector.load %arg9[%get3A_48, %get3A_49] : memref<1x1xf32, #tpu.memory_space<vmem>>, vector<1x1xf32>
    %add3A_51 = vector.broadcast %get3A_50 : vector<1x1xf32> to vector<512x1xf32>
    %add3A_52 = arith.addf %dot_general3A_47, %add3A_51 : vector<512x1xf32>
    %swap3A_53 = arith.constant 0 : index
    %swap3A_54 = arith.constant 0 : index
    %swap3A_55 = vector.load %arg12[%swap3A_53, %swap3A_54] : memref<512x1xf32, #tpu.memory_space<vmem>>, vector<512x1xf32>
    tpu.vector_store %arg12[%swap3A_53, %swap3A_54], %add3A_52 {strides = array<i32>} : memref<512x1xf32, #tpu.memory_space<vmem>>, vector<512x1xf32>,
    return
  }
  func.func @transform_0(%arg0: i32) -> (i32, i32) {
    %c0_i32 = arith.constant 0 : i32
    %c0_i32_0 = arith.constant 0 : i32
    return %arg0, %c0_i32 : i32, i32
  }
  func.func @transform_1(%arg0: i32) -> (i32, i32) {
    %c0_i32 = arith.constant 0 : i32
    %c0_i32_0 = arith.constant 0 : i32
    return %arg0, %c0_i32 : i32, i32
  }
  func.func @transform_2(%arg0: i32) -> (i32, i32) {
    %c0_i32 = arith.constant 0 : i32
    %c0_i32_0 = arith.constant 0 : i32
    return %arg0, %c0_i32 : i32, i32
  }
  func.func @transform_3(%arg0: i32) -> (i32, i32) {
    %c0_i32 = arith.constant 0 : i32
    %c0_i32_0 = arith.constant 0 : i32
    return %arg0, %c0_i32 : i32, i32
  }
  func.func @transform_4(%arg0: i32) -> (i32, i32) {
    %c0_i32 = arith.constant 0 : i32
    %c0_i32_0 = arith.constant 0 : i32
    %c0_i32_1 = arith.constant 0 : i32
    return %c0_i32, %c0_i32_0 : i32, i32
  }
  func.func @transform_5(%arg0: i32) -> (i32, i32) {
    %c0_i32 = arith.constant 0 : i32
    %c0_i32_0 = arith.constant 0 : i32
    %c0_i32_1 = arith.constant 0 : i32
    return %c0_i32, %c0_i32_0 : i32, i32
  }
  func.func @transform_6(%arg0: i32) -> (i32, i32) {
    %c0_i32 = arith.constant 0 : i32
    %c0_i32_0 = arith.constant 0 : i32
    %c0_i32_1 = arith.constant 0 : i32
    return %c0_i32, %c0_i32_0 : i32, i32
  }
  func.func @transform_7(%arg0: i32) -> (i32, i32) {
    %c0_i32 = arith.constant 0 : i32
    %c0_i32_0 = arith.constant 0 : i32
    %c0_i32_1 = arith.constant 0 : i32
    return %c0_i32, %c0_i32_0 : i32, i32
  }
  func.func @transform_8(%arg0: i32) -> (i32, i32) {
    %c0_i32 = arith.constant 0 : i32
    %c0_i32_0 = arith.constant 0 : i32
    %c0_i32_1 = arith.constant 0 : i32
    return %c0_i32, %c0_i32_0 : i32, i32
  }
  func.func @transform_9(%arg0: i32) -> (i32, i32) {
    %c0_i32 = arith.constant 0 : i32
    %c0_i32_0 = arith.constant 0 : i32
    return %arg0, %c0_i32 : i32, i32
  }
  func.func @transform_10(%arg0: i32) -> (i32, i32) {
    %c0_i32 = arith.constant 0 : i32
    %c0_i32_0 = arith.constant 0 : i32
    return %arg0, %c0_i32 : i32, i32
  }
  func.func @transform_11(%arg0: i32) -> (i32, i32) {
    %c0_i32 = arith.constant 0 : i32
    %c0_i32_0 = arith.constant 0 : i32
    return %arg0, %c0_i32 : i32, i32
  }
}

</mosaic_0001>

<sc_bundles>
// kernel: kernel.10.cloned.1.call-start
scs
__scs_entry_jumppad:
0x0: {  	(pc) =	sbr.rel $0x88, $3  }
0x1: {  	(tag) =	ssettag $0x0;
	lr =	simm.s32 $0x1  }
0x2: {  	[smem:$0x3F8D] =	sst lr;
	_ =	strace $0xD0000000  }
0x3: {  	_ = 	snop  }
0x4: {  	_ = 	snop  }
0x5: {  	_ = 	snop  }
0x6: {  	_ = 	snop  }
0x7: {  	_ = 	snop  }
__scs_overlays_trampoline_lowered:
0x8: {  	[smem:$0x3F9C] =	sst s0  }
0x9: {  	[smem:$0x3F9D] =	sst s1  }
0xa: {  	[smem:$0x3F9E] =	sst s2  }
0xb: {  	[smem:$0x3F9F] =	sst s3  }
0xc: {  	[smem:$0x3FA0] =	sst s4  }
0xd: {  	[smem:$0x3FA1] =	sst s5  }
0xe: {  	[smem:$0x3FA2] =	sst s6  }
0xf: {  	[smem:$0x3FA3] =	sst s7  }
0x10: {  	[smem:$0x3FA4] =	sst s8  }
0x11: {  	[smem:$0x3FA5] =	sst s9;
	s0 =	simm.s32 @!p0 $0x0  }
0x12: {  	s1 =	sld [smem:$0x3F8B];
	s0 =	simm.s32 @p0 $0x1  }
0x13: {  	[smem:$0x3FA6] =	sst s0;
	s0 =	simm.s32 @!p1 $0x0  }
0x14: {  	s2 =	sld [smem:$0x3F8A];
	s0 =	simm.s32 @p1 $0x1  }
0x15: {  	[smem:$0x3FA7] =	sst s0;
	s0 =	simm.s32 @!p2 $0x0  }
0x16: {  	s3 =	sld [smem:$0x3FDB];
	s0 =	simm.s32 @p2 $0x1  }
0x17: {  	s4 =	simm.s32 $0x1BF5;
	[smem:$0x3FA9] =	sst s0  }
0x18: {  	s0 =	sld [smem:$0x3F8C];
	_ =	swait.ge [sflag:s4], $0x0  }
0x19: {  	s7 =	sld [smem:$0x3F8D]  }
0x1a: {  	s8 =	sadd.s32 $0xFFFFE003, lr  }
0x1b: {  	s9 =	sadd.s32 $0xFFFFFEF7, lr;
	s5 =	simm.s32 $0xFFFFFFFF;
	p2 =	slt.u32 s8, $0xFFFFF086  }
0x1c: {  	p1 =	slt.u32 s9, $0xF7A;
	s5 =	simm.s32 @!p2 $0x0  }
0x1d: {  	s5 =	simm.s32 @p1 $0x1;
	p0 =	seq.s32 s7, s2  }
0x1e: {  	s7 =	smul.u32 @!p0 $0xF7A, s2;
	p2 =	seq.s32 @!p0 s5, $0x0  }
0x1f: {  	s9 =	smul.u32 $0xF7A, s1;
	s8 =	simm.s32 @!p0 $0x1BF5;
	p2 =	por !p2, p0  }
0x20: {  	[sflag:s8] =	ssyncset.s32 @!p0 $0xFFFFF086;
	s6 =	sadd.s32 @!p0 s3, s7;
	s7 =	simm.s32 @!p0 $0x108  }
0x21: {  	s3 =	sadd.s32 s3, s9;
	s6 =	sadd.s32 @!p0 $0x88, s6;
	s7 =	simm.s32 @p2 $0x1082  }
0x22: {  	[simem:s7], [sflag:s8] =	dma.local @!p0 [hbm:s6], $0xF7A  }
0x23: {  	s9 =	sor.u32 $0xD0000000, s2;
	s6 =	simm.s32 $0x108;
	_ =	swait.ge @!p0 [sflag:s8], $0x0  }
0x24: {  	s3 =	sadd.s32 $0x88, s3;
	s6 =	simm.s32 @!p1 $0x1082;
	[sflag:s4] =	ssyncset.s32 $0xFFFFF086  }
0x25: {  	[simem:s6], [sflag:s4] =	dma.local [hbm:s3], $0xF7A  }
0x26: {  	[smem:$0x3F8D] =	sst s1;
	(tag) =	ssettag s2;
	_ =	strace s9  }
0x27: {  	s1 =	sld [smem:$0x3F9D]  }
0x28: {  	s2 =	sld [smem:$0x3F9E]  }
0x29: {  	s4 =	sld [smem:$0x3FA0]  }
0x2a: {  	p0 =	seq.s32 s5, $0x0;
	s5 =	sld [smem:$0x3FA1]  }
0x2b: {  	s6 =	sld [smem:$0x3FA2]  }
0x2c: {  	s7 =	sld [smem:$0x3FA3]  }
0x2d: {  	s3 =	simm.s32 $0x108;
	s8 =	sld [smem:$0x3FA4]  }
0x2e: {  	s3 =	simm.s32 @!p0 $0x1082;
	s9 =	sld [smem:$0x3FA5]  }
0x2f: {  	lr =	sadd.s32 s0, s3;
	s0 =	sld [smem:$0x3F9C]  }
0x30: {  	s3 =	sld [smem:$0x3F9F]  }
0x31: {  	[smem:$0x3FA8] =	sst s10  }
0x32: {  	s10 =	sld [smem:$0x3FA6];
	_ =	sdelay $0x3  }
0x33: {  	p0 =	seq.s32 s10, $0x1;
	s10 =	sld [smem:$0x3FA8];
	_ =	sdelay $0x3  }
0x34: {  	[smem:$0x3FA8] =	sst s10  }
0x35: {  	s10 =	sld [smem:$0x3FA7];
	_ =	sdelay $0x3  }
0x36: {  	p1 =	seq.s32 s10, $0x1;
	s10 =	sld [smem:$0x3FA8];
	_ =	sdelay $0x3  }
0x37: {  	[smem:$0x3FA8] =	sst s10  }
0x38: {  	s10 =	sld [smem:$0x3FA9]  }
0x39: {  	_ = 	snop;
	(pc) =	sbr.ind lr, $3  }
0x3a: {  	_ = 	snop  }
0x3b: {  	_ = 	snop  }
0x3c: {  	p2 =	seq.s32 s10, $0x1;
	s10 =	sld [smem:$0x3FA8]  }
0x3d: {  	_ =	shalt  }
0x3e: {  	_ =	shalt  }
0x3f: {  	_ =	shalt  }
0x40: {  	_ =	shalt  }
0x41: {  	_ =	shalt  }
0x42: {  	_ =	shalt  }
0x43: {  	_ =	shalt  }
0x44: {  	_ =	shalt  }
0x45: {  	_ =	shalt  }
0x46: {  	_ =	shalt  }
0x47: {  	_ =	shalt  }
0x48: {  	_ =	shalt  }
0x49: {  	_ =	shalt  }
0x4a: {  	_ =	shalt  }
0x4b: {  	_ =	shalt  }
0x4c: {  	_ =	shalt  }
0x4d: {  	_ =	shalt  }
0x4e: {  	_ =	shalt  }
0x4f: {  	_ =	shalt  }
0x50: {  	_ =	shalt  }
0x51: {  	_ =	shalt  }
0x52: {  	_ =	shalt  }
0x53: {  	_ =	shalt  }
0x54: {  	_ =	shalt  }
0x55: {  	_ =	shalt  }
0x56: {  	_ =	shalt  }
0x57: {  	_ =	shalt  }
0x58: {  	_ =	shalt  }
0x59: {  	_ =	shalt  }
0x5a: {  	_ =	shalt  }
0x5b: {  	_ =	shalt  }
0x5c: {  	_ =	shalt  }
0x5d: {  	_ =	shalt  }
0x5e: {  	_ =	shalt  }
0x5f: {  	_ =	shalt  }
0x60: {  	_ =	shalt  }
0x61: {  	_ =	shalt  }
0x62: {  	_ =	shalt  }
0x63: {  	_ =	shalt  }
0x64: {  	_ =	shalt  }
0x65: {  	_ =	shalt  }
0x66: {  	_ =	shalt  }
0x67: {  	_ =	shalt  }
0x68: {  	_ =	shalt  }
0x69: {  	_ =	shalt  }
0x6a: {  	_ =	shalt  }
0x6b: {  	_ =	shalt  }
0x6c: {  	_ =	shalt  }
0x6d: {  	_ =	shalt  }
0x6e: {  	_ =	shalt  }
0x6f: {  	_ =	shalt  }
0x70: {  	_ =	shalt  }
0x71: {  	_ =	shalt  }
0x72: {  	_ =	shalt  }
0x73: {  	_ =	shalt  }
0x74: {  	_ =	shalt  }
0x75: {  	_ =	shalt  }
0x76: {  	_ =	shalt  }
0x77: {  	_ =	shalt  }
0x78: {  	_ =	shalt  }
0x79: {  	_ =	shalt  }
0x7a: {  	_ =	shalt  }
0x7b: {  	_ =	shalt  }
0x7c: {  	_ =	shalt  }
0x7d: {  	_ =	shalt  }
0x7e: {  	_ =	shalt  }
0x7f: {  	_ =	shalt  }
0x80: {  	_ =	shalt  }
0x81: {  	_ =	shalt  }
0x82: {  	_ =	shalt  }
0x83: {  	_ =	shalt  }
0x84: {  	_ =	shalt  }
0x85: {  	_ =	shalt  }
0x86: {  	_ =	shalt  }
0x87: {  	_ =	shalt  }
.Lfunc_end0:
.L_simem_size_0:
called_computation_lowered:
.L_overlay_start_0:
0x88: {  	s2 =	sld [smem:$0x3FD9]  }
0x89: {  	s3 =	sld [smem:$0x3FFE];
	_ =	sdelay $0x1  }
0x8a: {  	s1 =	srdreg.scid  }
0x8b: {  	s0 =	sand.u32 $0x1, s1  }
0x8c: {  	s14 =	sshll.u32 s0, $0xA;
	s2 =	sadd.s32 s3, s2  }
0x8d: {  	s2 =	sadd.s32 s2, s14  }
0x8e: {  	[smem:$0x3FB4] =	sst s2  }
0x8f: {  	_ = 	snop  }
0x90: {  	s2 =	sld [smem:$0x3FD0];
	_ =	sdelay $0x2  }
0x91: {  	s15 =	simm.s32 $0xA;
	s4 =	simm.s32 $0x10  }
0x92: {  	[smem:s4], [sflag:s15] =	dma.local [hbm:s2], $0x1  }
0x93: {  	_ =	swait.eq [sflag:s15], $0x1  }
0x94: {  	[sflag:s15] =	ssyncset.done $0x0  }
0x95: {  	[sflag:s15] =	ssyncadd.s32 $0xFFFFFFFF  }
0x96: {  	s16 =	sld [smem:$0x11];
	(tm) =	ssettm $0x1  }
0x97: {  	s17 =	sld [smem:$0x3FFB];
	_ =	sdelay $0x3  }
0x98: {  	_ =	strace s17  }
0x99: {  	s3 =	sld [smem:$0x3FFC];
	_ =	sdelay $0x3  }
0x9a: {  	_ =	strace s3  }
0x9b: {  	s3 =	sld [smem:$0x3FFD];
	_ =	sdelay $0x3  }
0x9c: {  	_ =	strace s3  }
0x9d: {  	_ =	strace $0x8FFFFFFF  }
0x9e: {  	s18 =	sld [smem:$0x3FDB];
	_ =	sdelay $0x1  }
0x9f: {  	s19 =	simm.s32 $_scs_section_size  }
0xa0: {  	s5 =	simm.s32 $_size__tile_overlayer_lowered;
	s6 =	simm.s32 $_tile_overlayer_lowered  }
0xa1: {  	s22 =	simm.s32 $0x1BFF;
	s21 =	sshll.u32 s6, $0x1;
	s3 =	sadd.s32 s19, s18  }
0xa2: {  	s7 =	simm.s32 $0x0;
	s20 =	sshll.u32 s5, $0x1;
	s5 =	sadd.s32 s21, s3  }
0xa3: {  	[timem:s7], [sflag:s22] =	dma.local [hbm:s5], s20  }
0xa4: {  	_ =	swait.ge [sflag:s22], s20  }
0xa5: {  	s4 =	ssub.s32 $0x0, s20;
	[sflag:s22] =	ssyncset.done $0x0  }
0xa6: {  	[sflag:s22] =	ssyncadd.s32 s4;
	_ =	sdelay $0x1  }
0xa7: {  	s23 =	simm.s32 $0x1B8B  }
0xa8: {  	_ =	swait.ge [sflag:s23], $0x1  }
0xa9: {  	[sflag:s23] =	ssyncset.done $0x0  }
0xaa: {  	s25 =	simm.s32 $0x1B8E;
	s24 =	sld [smem:$0x3FFE];
	[sflag:s23] =	ssyncadd.s32 $0xFFFFFFFF  }
0xab: {  	s26 =	simm.s32 $execute0_lowered;
	[smem:$0x3FD2] =	sst s25  }
0xac: {  	s5 =	sshll.u32 s26, $0x1;
	_ =	strace $0x80000046;
	[dreg:$0x1] =	wrdreg $0xFFFFFFFF  }
0xad: {  	s28 =	simm.s32 $_size_execute0_lowered;
	s3 =	sadd.s32 s3, s5;
	[dreg:$0x0] =	wrdreg $0x0  }
0xae: {  	s5 =	sshll.u32 s28, $0x1;
	[dreg:$0x2] =	wrdreg s3  }
0xaf: {  	[dreg:$0x3] =	wrdreg s5  }
0xb0: {  	[dreg:$0x4] =	wrdreg $0xC0  }
0xb1: {  	_ =	task [dreg:s7], $0x5FFFF  }
0xb2: {  	[dreg:$0x1] =	wrdreg $0xFFFFFFFF  }
0xb3: {  	[dreg:$0x0] =	wrdreg $0x60  }
0xb4: {  	[dreg:$0x2] =	wrdreg s24  }
0xb5: {  	[dreg:$0x3] =	wrdreg s16  }
0xb6: {  	[dreg:$0x4] =	wrdreg $0x0  }
0xb7: {  	[dreg:$0x5] =	wrdreg $0x9  }
0xb8: {  	_ =	task.clear_ibuf [dreg:s7], $0x6FFFF;
	_ =	strace $0x90000046  }
0xb9: {  	s29 =	simm.s32 $0x9;
	_ =	strace $0x80000048  }
0xba: {  	_ =	swait.ge [sflag:s29], $0x1  }
0xbb: {  	[sflag:s29] =	ssyncadd.s32 $0xFFFFFFFF  }
0xbc: {  	_ =	strace $0x90000048  }
0xbd: {  	_ =	sfence  }
0xbe: {  	s30 =	sld [smem:$0x0];
	_ =	sdelay $0x2  }
0xbf: {  	s31 =	sshll.u32 s1, $0xD;
	s1 =	sshrl.u32 s1, $0x2  }
0xc0: {  	s3 =	sand.u32 $0x4000, s31;
	s1 =	sadd.s32 s1, s30  }
0xc1: {  	s0 =	sor.u32 s3, s0;
	s1 =	sshll.u32 s1, $0x11  }
0xc2: {  	s0 =	sor.u32 s1, s0  }
0xc3: {  	s0 =	sadd.s32 $0x8F2B, s0  }
0xc4: {  	[sflag:s0] =	ssyncadd.remote.s32 $0x1  }
0xc5: {  	_ =	sfence.sel $0xFFFF  }
0xc6: {  	[dreg:$0x0] =	wrdreg $0xFFFFFFFF;
	(pc) =	sbr.abs _section_cstart, $3  }
0xc7: {  	[dreg:$0x1] =	wrdreg $0xFFFFFFFF  }
0xc8: {  	_ =	task.clear_ibuf [dreg:s7], $0x2FFFF;
	_ =	strace $0x9FFFFFFF  }
0xc9: {  	(tm) =	ssettm $0x7FFFFFFF  }
tec
execute0_lowered:
.L_overlay_start_1:
0x0: {  	(tag) =	ssettag $0x1  }
0x1: {  	s4 =	rddreg [dreg:$0x0]  }
0x2: {  	s5 =	rddreg [dreg:$0x1]  }
0x3: {  	s1 =	rddreg [dreg:$0x2]  }
0x4: {  	s2 =	srdreg.scid;
	s0 =	rddreg [dreg:$0x3];
	s3 =	simm.s32 $0x0  }
0x5: {  	s11 =	simm.s32 $0x280;
	s12 =	simm.s32 $0x80;
	s13 =	simm.s32 $0x2A80  }
0x6: {  	s14 =	simm.s32 $0x20;
	s15 =	simm.s32 $0x10;
	s16 =	simm.s32 $0x0  }
0x7: {  	s6 =	sand.u32 $0x1, s2;
	s2 =	stileid.u32;
	[smem:$0x7FF] =	sst s3  }
0x8: {  	s7 =	sshll.u32 s6, $0x4;
	s8 =	smul.u32 $0x500, s2;
	_ =	strace $0x80000047  }
0x9: {  	s9 =	sshll.u32 s6, $0x7;
	s6 =	ssub.s32 $0x2, s6;
	s29 =	smul.u32 $0x280, s2  }
0xa: {  	s31 =	sshll.u32 s2, $0x6;
	s7 =	sor.u32 s2, s7;
	s10 =	sshrl.u32 s6, $0x1  }
0xb: {  	s7 =	smul.u32 $0x500, s7;
	s8 =	sor.u32 s9, s8;
	s10 =	ssub.s32 s6, s10  }
0xc: {  	s30 =	sshrl.u32 s29, $0x3;
	s9 =	sadd.s32 s29, s1;
	s8 =	sshrl.u32 s8, $0x3  }
0xd: {  	s9 =	sshrl.u32 s9, $0x3;
	s7 =	sadd.s32 s7, s4;
	s8 =	sadd.s32 s8, s4  }
0xe: {  	s4 =	sadd.s32 s5, s30;
	s5 =	sor.u32 $0x1C01, s31;
	s6 =	sadd.s32 $0x4600, s7  }
0xf: {  	v0 =	vimm.f32 $1.000000000e+00;
	s7 =	sadd.s32 $0xE600, s8;
	s8 =	smax.u32 s10, $0x1;
	s10 =	simm.s32 $0x1  }
.LBB2_1:
0x10: {  	[spmem:s9], [sflag:s5] =	dma.local [hbm:s4], $0x50  }
0x11: {  	_ =	swait.ge [sflag:s10], $0x50  }
0x12: {  	[sflag:s10] =	ssyncset.done $0x0  }
0x13: {  	[sflag:s10] =	ssyncadd.s32 $0xFFFFFFB0  }
0x14: {  	[tilespmem:s11], [sflag:$0x1] =	stream.linear.gather [hbm4b:s6+s3], $0x2800, $0x38;
	[tilespmem:$0x2B00] =	vst v63  }
0x15: {  	_ =	swait.ge [sflag:s10], $0x2800  }
0x16: {  	[sflag:s10] =	ssyncset.done $0x0  }
0x17: {  	[sflag:s10] =	ssyncadd.s32 $0xFFFFD800  }
0x18: {  	[tilespmem:$0x2A80] =	vst v0  }
0x19: {  	[tilespmem:$0x2A90] =	vst v0  }
0x1a: {  	[tilespmem:$0x2AA0] =	vst v0  }
0x1b: {  	[tilespmem:$0x2AB0] =	vst v0  }
0x1c: {  	[tilespmem:$0x2AC0] =	vst v0  }
0x1d: {  	[tilespmem:$0x2AD0] =	vst v0  }
0x1e: {  	[tilespmem:$0x2AE0] =	vst v0  }
0x1f: {  	[tilespmem:$0x2AF0] =	vst v0  }
0x20: {  	s17 =	simm.s32 $0x280;
	[bflag:$0x0] =	sbarrier.arrive $0xFFFF  }
0x21: {  	[spmem:s1] =	stream.indirect.scatter.add.f32 [tilespmem:s13], [sflag:$0x1], $0x1, s17, s12, $0xb8;
	[tilespmem:$0x2B00] =	vst v63  }
0x22: {  	s17 =	simm.s32 $0x200;
	_ =	swait.ge [sflag:s10], $0x80  }
.LBB2_2:
0x23: {  	s18 =	sshra.s32 s17, $0x2;
	[sflag:s10] =	ssyncset.done $0x0;
	p0 =	sne.s32 s17, $0x9E00  }
.Ltmp0:
0x24: {  	s18 =	sadd.s32 $0x280, s18;
	[sflag:s10] =	ssyncadd.s32 $0xFFFFFF80;
	(pc) =	sbr.rel @p0 .LBB2_2-.Ltmp0, $3  }
0x25: {  	[spmem:s1] =	stream.indirect.scatter.add.f32 [tilespmem:s13], [sflag:$0x1], $0x1, s18, s12, $0xb8;
	[tilespmem:$0x2B00] =	vst v63  }
0x26: {  	s17 =	sadd.s32 $0x200, s17;
	_ =	sdelay $0x1  }
0x27: {  	_ =	swait.ge [sflag:s10], $0x80  }
0x28: {  	[sflag:s10] =	ssyncset.done $0x0;
	s16 =	sadd.s32 $0x1, s16  }
0x29: {  	[sflag:s10] =	ssyncadd.s32 $0xFFFFFF80;
	p0 =	sne.s32 s16, s8  }
.Ltmp1:
0x2a: {  	[bflag:$0x0] =	sbarrier.arrive $0xFFFF;
	(pc) =	sbr.rel @p0 .LBB2_1-.Ltmp1, $4  }
0x2b: {  	[hbm:s7@s14], [sflag:s5] =	dma.strided [spmem:s9@s15], $0x50, s10, $0x10   }
0x2c: {  	_ =	swait.ge [sflag:s10], $0x50  }
0x2d: {  	[sflag:s10] =	ssyncset.done $0x0  }
0x2e: {  	[sflag:s10] =	ssyncadd.s32 $0xFFFFFFB0  }
0x2f: {  	_ =	sfence.sel $0x180000  }
0x30: {  	[bflag:$0x0] =	sbarrier.arrive $0xFFFF  }
0x31: {  	p0 =	sne.s32 s2, $0x0;
	_ =	strace $0x90000047  }
0x32: {  	s0 =	sadd.s32 @!p0 $0x100000, s0;
	[bflag:$0x2] =	sbarrier.arrive $0xFFFF  }
0x33: {  	[sflag:s0] =	ssyncadd.tile.s32 @!p0 $0x1;
	_ =	shalt  }
.Lfunc_end2:
_tile_overlayer_lowered:
.L_overlay_start_2:
0x34: {  	(tag) =	ssettag $0x2  }
0x35: {  	s0 =	rddreg [dreg:$0x0];
	s2 =	stileid.u32  }
0x36: {  	s1 =	rddreg [dreg:$0x1];
	p0 =	sne.s32 s2, $0x0  }
0x37: {  	s3 =	rddreg [dreg:$0x2];
	[bflag:$0x3] =	sbarrier.arrive $0xFFFF;
	s2 =	simm.s32 @!p0 $0x1C01  }
0x38: {  	[timem:s3], [sflag:s2] =	dma.local @!p0 [hbm:s0], s1  }
0x39: {  	s0 =	simm.s32 @!p0 $0x1  }
0x3a: {  	_ =	swait.ge @!p0 [sflag:s0], s1  }
0x3b: {  	s1 =	ssub.s32 @!p0 $0x0, s1;
	[sflag:s0] =	ssyncset.done @!p0 $0x0  }
0x3c: {  	[sflag:s0] =	ssyncadd.s32 @!p0 s1  }
0x3d: {  	[bflag:$0x3] =	sbarrier.arrive $0xFFFF  }
0x3e: {  	_ =	shalt  }

// kernel: kernel.13.cloned.1.call-start
scs
__scs_entry_jumppad:
0x0: {  	(pc) =	sbr.rel $0x88, $3  }
0x1: {  	(tag) =	ssettag $0x0;
	lr =	simm.s32 $0x1  }
0x2: {  	[smem:$0x3F8D] =	sst lr;
	_ =	strace $0xD0000000  }
0x3: {  	_ = 	snop  }
0x4: {  	_ = 	snop  }
0x5: {  	_ = 	snop  }
0x6: {  	_ = 	snop  }
0x7: {  	_ = 	snop  }
__scs_overlays_trampoline_lowered:
0x8: {  	[smem:$0x3F9C] =	sst s0  }
0x9: {  	[smem:$0x3F9D] =	sst s1  }
0xa: {  	[smem:$0x3F9E] =	sst s2  }
0xb: {  	[smem:$0x3F9F] =	sst s3  }
0xc: {  	[smem:$0x3FA0] =	sst s4  }
0xd: {  	[smem:$0x3FA1] =	sst s5  }
0xe: {  	[smem:$0x3FA2] =	sst s6  }
0xf: {  	[smem:$0x3FA3] =	sst s7  }
0x10: {  	[smem:$0x3FA4] =	sst s8  }
0x11: {  	[smem:$0x3FA5] =	sst s9;
	s0 =	simm.s32 @!p0 $0x0  }
0x12: {  	s1 =	sld [smem:$0x3F8B];
	s0 =	simm.s32 @p0 $0x1  }
0x13: {  	[smem:$0x3FA6] =	sst s0;
	s0 =	simm.s32 @!p1 $0x0  }
0x14: {  	s2 =	sld [smem:$0x3F8A];
	s0 =	simm.s32 @p1 $0x1  }
0x15: {  	[smem:$0x3FA7] =	sst s0;
	s0 =	simm.s32 @!p2 $0x0  }
0x16: {  	s3 =	sld [smem:$0x3FDB];
	s0 =	simm.s32 @p2 $0x1  }
0x17: {  	s4 =	simm.s32 $0x1BF5;
	[smem:$0x3FA9] =	sst s0  }
0x18: {  	s0 =	sld [smem:$0x3F8C];
	_ =	swait.ge [sflag:s4], $0x0  }
0x19: {  	s7 =	sld [smem:$0x3F8D]  }
0x1a: {  	s8 =	sadd.s32 $0xFFFFE003, lr  }
0x1b: {  	s9 =	sadd.s32 $0xFFFFFEF7, lr;
	s5 =	simm.s32 $0xFFFFFFFF;
	p2 =	slt.u32 s8, $0xFFFFF086  }
0x1c: {  	p1 =	slt.u32 s9, $0xF7A;
	s5 =	simm.s32 @!p2 $0x0  }
0x1d: {  	s5 =	simm.s32 @p1 $0x1;
	p0 =	seq.s32 s7, s2  }
0x1e: {  	s7 =	smul.u32 @!p0 $0xF7A, s2;
	p2 =	seq.s32 @!p0 s5, $0x0  }
0x1f: {  	s9 =	smul.u32 $0xF7A, s1;
	s8 =	simm.s32 @!p0 $0x1BF5;
	p2 =	por !p2, p0  }
0x20: {  	[sflag:s8] =	ssyncset.s32 @!p0 $0xFFFFF086;
	s6 =	sadd.s32 @!p0 s3, s7;
	s7 =	simm.s32 @!p0 $0x108  }
0x21: {  	s3 =	sadd.s32 s3, s9;
	s6 =	sadd.s32 @!p0 $0x88, s6;
	s7 =	simm.s32 @p2 $0x1082  }
0x22: {  	[simem:s7], [sflag:s8] =	dma.local @!p0 [hbm:s6], $0xF7A  }
0x23: {  	s9 =	sor.u32 $0xD0000000, s2;
	s6 =	simm.s32 $0x108;
	_ =	swait.ge @!p0 [sflag:s8], $0x0  }
0x24: {  	s3 =	sadd.s32 $0x88, s3;
	s6 =	simm.s32 @!p1 $0x1082;
	[sflag:s4] =	ssyncset.s32 $0xFFFFF086  }
0x25: {  	[simem:s6], [sflag:s4] =	dma.local [hbm:s3], $0xF7A  }
0x26: {  	[smem:$0x3F8D] =	sst s1;
	(tag) =	ssettag s2;
	_ =	strace s9  }
0x27: {  	s1 =	sld [smem:$0x3F9D]  }
0x28: {  	s2 =	sld [smem:$0x3F9E]  }
0x29: {  	s4 =	sld [smem:$0x3FA0]  }
0x2a: {  	p0 =	seq.s32 s5, $0x0;
	s5 =	sld [smem:$0x3FA1]  }
0x2b: {  	s6 =	sld [smem:$0x3FA2]  }
0x2c: {  	s7 =	sld [smem:$0x3FA3]  }
0x2d: {  	s3 =	simm.s32 $0x108;
	s8 =	sld [smem:$0x3FA4]  }
0x2e: {  	s3 =	simm.s32 @!p0 $0x1082;
	s9 =	sld [smem:$0x3FA5]  }
0x2f: {  	lr =	sadd.s32 s0, s3;
	s0 =	sld [smem:$0x3F9C]  }
0x30: {  	s3 =	sld [smem:$0x3F9F]  }
0x31: {  	[smem:$0x3FA8] =	sst s10  }
0x32: {  	s10 =	sld [smem:$0x3FA6];
	_ =	sdelay $0x3  }
0x33: {  	p0 =	seq.s32 s10, $0x1;
	s10 =	sld [smem:$0x3FA8];
	_ =	sdelay $0x3  }
0x34: {  	[smem:$0x3FA8] =	sst s10  }
0x35: {  	s10 =	sld [smem:$0x3FA7];
	_ =	sdelay $0x3  }
0x36: {  	p1 =	seq.s32 s10, $0x1;
	s10 =	sld [smem:$0x3FA8];
	_ =	sdelay $0x3  }
0x37: {  	[smem:$0x3FA8] =	sst s10  }
0x38: {  	s10 =	sld [smem:$0x3FA9]  }
0x39: {  	_ = 	snop;
	(pc) =	sbr.ind lr, $3  }
0x3a: {  	_ = 	snop  }
0x3b: {  	_ = 	snop  }
0x3c: {  	p2 =	seq.s32 s10, $0x1;
	s10 =	sld [smem:$0x3FA8]  }
0x3d: {  	_ =	shalt  }
0x3e: {  	_ =	shalt  }
0x3f: {  	_ =	shalt  }
0x40: {  	_ =	shalt  }
0x41: {  	_ =	shalt  }
0x42: {  	_ =	shalt  }
0x43: {  	_ =	shalt  }
0x44: {  	_ =	shalt  }
0x45: {  	_ =	shalt  }
0x46: {  	_ =	shalt  }
0x47: {  	_ =	shalt  }
0x48: {  	_ =	shalt  }
0x49: {  	_ =	shalt  }
0x4a: {  	_ =	shalt  }
0x4b: {  	_ =	shalt  }
0x4c: {  	_ =	shalt  }
0x4d: {  	_ =	shalt  }
0x4e: {  	_ =	shalt  }
0x4f: {  	_ =	shalt  }
0x50: {  	_ =	shalt  }
0x51: {  	_ =	shalt  }
0x52: {  	_ =	shalt  }
0x53: {  	_ =	shalt  }
0x54: {  	_ =	shalt  }
0x55: {  	_ =	shalt  }
0x56: {  	_ =	shalt  }
0x57: {  	_ =	shalt  }
0x58: {  	_ =	shalt  }
0x59: {  	_ =	shalt  }
0x5a: {  	_ =	shalt  }
0x5b: {  	_ =	shalt  }
0x5c: {  	_ =	shalt  }
0x5d: {  	_ =	shalt  }
0x5e: {  	_ =	shalt  }
0x5f: {  	_ =	shalt  }
0x60: {  	_ =	shalt  }
0x61: {  	_ =	shalt  }
0x62: {  	_ =	shalt  }
0x63: {  	_ =	shalt  }
0x64: {  	_ =	shalt  }
0x65: {  	_ =	shalt  }
0x66: {  	_ =	shalt  }
0x67: {  	_ =	shalt  }
0x68: {  	_ =	shalt  }
0x69: {  	_ =	shalt  }
0x6a: {  	_ =	shalt  }
0x6b: {  	_ =	shalt  }
0x6c: {  	_ =	shalt  }
0x6d: {  	_ =	shalt  }
0x6e: {  	_ =	shalt  }
0x6f: {  	_ =	shalt  }
0x70: {  	_ =	shalt  }
0x71: {  	_ =	shalt  }
0x72: {  	_ =	shalt  }
0x73: {  	_ =	shalt  }
0x74: {  	_ =	shalt  }
0x75: {  	_ =	shalt  }
0x76: {  	_ =	shalt  }
0x77: {  	_ =	shalt  }
0x78: {  	_ =	shalt  }
0x79: {  	_ =	shalt  }
0x7a: {  	_ =	shalt  }
0x7b: {  	_ =	shalt  }
0x7c: {  	_ =	shalt  }
0x7d: {  	_ =	shalt  }
0x7e: {  	_ =	shalt  }
0x7f: {  	_ =	shalt  }
0x80: {  	_ =	shalt  }
0x81: {  	_ =	shalt  }
0x82: {  	_ =	shalt  }
0x83: {  	_ =	shalt  }
0x84: {  	_ =	shalt  }
0x85: {  	_ =	shalt  }
0x86: {  	_ =	shalt  }
0x87: {  	_ =	shalt  }
.Lfunc_end0:
.L_simem_size_0:
called_computation.1_lowered:
.L_overlay_start_0:
0x88: {  	s2 =	sld [smem:$0x3FD9]  }
0x89: {  	s3 =	sld [smem:$0x3FFE];
	_ =	sdelay $0x1  }
0x8a: {  	s1 =	srdreg.scid  }
0x8b: {  	s0 =	sand.u32 $0x1, s1  }
0x8c: {  	s14 =	sshll.u32 s0, $0xA;
	s2 =	sadd.s32 s3, s2  }
0x8d: {  	s2 =	sadd.s32 s2, s14  }
0x8e: {  	[smem:$0x3FB4] =	sst s2  }
0x8f: {  	_ = 	snop  }
0x90: {  	s2 =	sld [smem:$0x3FD0];
	_ =	sdelay $0x2  }
0x91: {  	s15 =	simm.s32 $0xA;
	s4 =	simm.s32 $0x10  }
0x92: {  	[smem:s4], [sflag:s15] =	dma.local [hbm:s2], $0x1  }
0x93: {  	_ =	swait.eq [sflag:s15], $0x1  }
0x94: {  	[sflag:s15] =	ssyncset.done $0x0  }
0x95: {  	[sflag:s15] =	ssyncadd.s32 $0xFFFFFFFF  }
0x96: {  	s16 =	sld [smem:$0x12];
	(tm) =	ssettm $0x1  }
0x97: {  	s17 =	sld [smem:$0x3FFB];
	_ =	sdelay $0x3  }
0x98: {  	_ =	strace s17  }
0x99: {  	s3 =	sld [smem:$0x3FFC];
	_ =	sdelay $0x3  }
0x9a: {  	_ =	strace s3  }
0x9b: {  	s3 =	sld [smem:$0x3FFD];
	_ =	sdelay $0x3  }
0x9c: {  	_ =	strace s3  }
0x9d: {  	_ =	strace $0x8FFFFFFF  }
0x9e: {  	s18 =	sld [smem:$0x3FDB];
	_ =	sdelay $0x1  }
0x9f: {  	s19 =	simm.s32 $_scs_section_size  }
0xa0: {  	s5 =	simm.s32 $_size__tile_overlayer_lowered;
	s6 =	simm.s32 $_tile_overlayer_lowered  }
0xa1: {  	s22 =	simm.s32 $0x1BFF;
	s21 =	sshll.u32 s6, $0x1;
	s3 =	sadd.s32 s19, s18  }
0xa2: {  	s7 =	simm.s32 $0x0;
	s20 =	sshll.u32 s5, $0x1;
	s5 =	sadd.s32 s21, s3  }
0xa3: {  	[timem:s7], [sflag:s22] =	dma.local [hbm:s5], s20  }
0xa4: {  	_ =	swait.ge [sflag:s22], s20  }
0xa5: {  	s4 =	ssub.s32 $0x0, s20;
	[sflag:s22] =	ssyncset.done $0x0  }
0xa6: {  	[sflag:s22] =	ssyncadd.s32 s4;
	_ =	sdelay $0x1  }
0xa7: {  	s23 =	simm.s32 $0x1B8B  }
0xa8: {  	_ =	swait.ge [sflag:s23], $0x1  }
0xa9: {  	[sflag:s23] =	ssyncset.done $0x0  }
0xaa: {  	s25 =	simm.s32 $0x1B8E;
	s24 =	sld [smem:$0x3FFE];
	[sflag:s23] =	ssyncadd.s32 $0xFFFFFFFF  }
0xab: {  	s26 =	simm.s32 $execute0_lowered;
	[smem:$0x3FD2] =	sst s25  }
0xac: {  	s5 =	sshll.u32 s26, $0x1;
	_ =	strace $0x80000049;
	[dreg:$0x1] =	wrdreg $0xFFFFFFFF  }
0xad: {  	s28 =	simm.s32 $_size_execute0_lowered;
	s3 =	sadd.s32 s3, s5;
	[dreg:$0x0] =	wrdreg $0x0  }
0xae: {  	s5 =	sshll.u32 s28, $0x1;
	[dreg:$0x2] =	wrdreg s3  }
0xaf: {  	[dreg:$0x3] =	wrdreg s5  }
0xb0: {  	[dreg:$0x4] =	wrdreg $0xC0  }
0xb1: {  	_ =	task [dreg:s7], $0x5FFFF  }
0xb2: {  	[dreg:$0x1] =	wrdreg $0xFFFFFFFF  }
0xb3: {  	[dreg:$0x0] =	wrdreg $0x60  }
0xb4: {  	[dreg:$0x2] =	wrdreg s24  }
0xb5: {  	[dreg:$0x3] =	wrdreg s16  }
0xb6: {  	[dreg:$0x4] =	wrdreg $0x0  }
0xb7: {  	[dreg:$0x5] =	wrdreg $0x9  }
0xb8: {  	_ =	task.clear_ibuf [dreg:s7], $0x6FFFF;
	_ =	strace $0x90000049  }
0xb9: {  	s29 =	simm.s32 $0x9;
	_ =	strace $0x8000004B  }
0xba: {  	_ =	swait.ge [sflag:s29], $0x1  }
0xbb: {  	[sflag:s29] =	ssyncadd.s32 $0xFFFFFFFF  }
0xbc: {  	_ =	strace $0x9000004B  }
0xbd: {  	_ =	sfence  }
0xbe: {  	s30 =	sld [smem:$0x0];
	_ =	sdelay $0x2  }
0xbf: {  	s31 =	sshll.u32 s1, $0xD;
	s1 =	sshrl.u32 s1, $0x2  }
0xc0: {  	s3 =	sand.u32 $0x4000, s31;
	s1 =	sadd.s32 s1, s30  }
0xc1: {  	s0 =	sor.u32 s3, s0;
	s1 =	sshll.u32 s1, $0x11  }
0xc2: {  	s0 =	sor.u32 s1, s0  }
0xc3: {  	s0 =	sadd.s32 $0x8F2B, s0  }
0xc4: {  	[sflag:s0] =	ssyncadd.remote.s32 $0x1  }
0xc5: {  	_ =	sfence.sel $0xFFFF  }
0xc6: {  	[dreg:$0x0] =	wrdreg $0xFFFFFFFF;
	(pc) =	sbr.abs _section_cstart, $3  }
0xc7: {  	[dreg:$0x1] =	wrdreg $0xFFFFFFFF  }
0xc8: {  	_ =	task.clear_ibuf [dreg:s7], $0x2FFFF;
	_ =	strace $0x9FFFFFFF  }
0xc9: {  	(tm) =	ssettm $0x7FFFFFFF  }
tec
execute0_lowered:
.L_overlay_start_1:
0x0: {  	(tag) =	ssettag $0x1  }
0x1: {  	s6 =	rddreg [dreg:$0x0]  }
0x2: {  	s10 =	rddreg [dreg:$0x1]  }
0x3: {  	s1 =	rddreg [dreg:$0x2]  }
0x4: {  	s2 =	srdreg.scid;
	s3 =	simm.s32 $0x0;
	s17 =	simm.s32 $0x80  }
0x5: {  	s18 =	simm.s32 $0x15000;
	s19 =	simm.s32 $0x1;
	s20 =	simm.s32 $0x14F80  }
0x6: {  	s21 =	simm.s32 $0x19000;
	s7 =	sand.u32 $0x1, s2;
	s2 =	stileid.u32  }
0x7: {  	s22 =	simm.s32 $0x0;
	[smem:$0x7FF] =	sst s3;
	s5 =	smul.u32 $0x140000, s7  }
0x8: {  	s4 =	sadd.s32 $0xE600, s6;
	s11 =	sadd.s32 $0x4600, s6;
	s8 =	smul.u32 $0x14000, s2  }
0x9: {  	_ =	strace $0x8000004A;
	s9 =	ssub.s32 $0x2, s7;
	s14 =	smul.u32 $0x50000, s2  }
0xa: {  	s13 =	sshll.u32 s7, $0x4;
	s28 =	sshll.u32 s2, $0x6;
	s16 =	smul.u32 $0x5000, s7  }
0xb: {  	s29 =	smul.u32 $0x500, s2;
	s12 =	sshrl.u32 s9, $0x1;
	s25 =	sor.u32 s2, s13  }
0xc: {  	s8 =	sadd.s32 s8, s5;
	s5 =	sadd.s32 $0x5E600, s6;
	s12 =	ssub.s32 s9, s12  }
0xd: {  	s26 =	sshrl.u32 s14, $0x2;
	s13 =	smul.u32 $0x500, s25;
	s30 =	sadd.s32 s16, s10  }
0xe: {  	s8 =	sshrl.u32 s8, $0x3;
	s14 =	sadd.s32 s26, s1;
	s31 =	sadd.s32 s29, s30  }
.Ltmp0:
0xf: {  	s15 =	sadd.s32 s8, s6;
	s6 =	sor.u32 $0x1C03, s28;
	(pc) =	sbr.rel .LBB2_1-.Ltmp0, $4  }
0x10: {  	s7 =	sadd.s32 s10, s13;
	s8 =	sadd.s32 s11, s13;
	s11 =	sadd.s32 s16, s11  }
0x11: {  	s10 =	smax.u32 s12, $0x1;
	s16 =	simm.s32 $0x14800;
	s9 =	sadd.s32 $0x60E00, s15  }
0x12: {  	s13 =	sadd.s32 s29, s11;
	s11 =	sadd.s32 $0x80, s31;
	s15 =	simm.s32 $0x14000  }
0x13: {  	s12 =	sadd.s32 $0x80, s13;
	s13 =	sshrl.u32 s14, $0x3;
	s14 =	simm.s32 $0x3  }
.LBB2_6:
0x14: {  	_ =	swait.ge [sflag:s19], $0x4000  }
0x15: {  	[sflag:s19] =	ssyncset.done $0x0  }
0x16: {  	[sflag:s19] =	ssyncadd.s32 $0xFFFFC000  }
0x17: {  	[spmem:s1] =	stream.indirect.scatter.add.f32 [tilespmem:s21], [sflag:$0x3], $0x80, s20, s17, $0xb8;
	[tilespmem:$0x1D000] =	vst v63  }
0x18: {  	_ =	swait.ge [sflag:s14], $0x4000  }
0x19: {  	s22 =	sadd.s32 $0x1, s22;
	[sflag:s14] =	ssyncset.done $0x0  }
0x1a: {  	p0 =	sne.s32 s22, s10;
	[sflag:s14] =	ssyncadd.s32 $0xFFFFC000  }
.Ltmp1:
0x1b: {  	[bflag:$0x0] =	sbarrier.arrive $0xFFFF;
	(pc) =	sbr.rel @!p0 .LBB2_7-.Ltmp1, $4  }
0x1c: {  	[hbm:s9], [sflag:s6] =	dma.local [spmem:s13], $0x2800  }
0x1d: {  	_ =	swait.ge [sflag:s14], $0x2800  }
0x1e: {  	[sflag:s14] =	ssyncset.done $0x0  }
0x1f: {  	[sflag:s14] =	ssyncadd.s32 $0xFFFFD800  }
.LBB2_1:
0x20: {  	[spmem:s13], [sflag:s6] =	dma.local [hbm:s5], $0x2800  }
0x21: {  	_ =	swait.ge [sflag:s14], $0x2800  }
0x22: {  	[sflag:s14] =	ssyncset.done $0x0  }
0x23: {  	[sflag:s14] =	ssyncadd.s32 $0xFFFFD800  }
0x24: {  	[tilespmem:s15], [sflag:$0x3] =	stream.linear.gather [hbm4b:s7+s3], $0x400, $0x38;
	[tilespmem:$0x1D000] =	vst v63  }
0x25: {  	_ =	swait.ge [sflag:s14], $0x400  }
0x26: {  	[sflag:s14] =	ssyncset.done $0x0  }
0x27: {  	[sflag:s14] =	ssyncadd.s32 $0xFFFFFC00  }
0x28: {  	[tilespmem:s16], [sflag:$0x3] =	stream.linear.gather [hbm4b:s8+s3], $0x400, $0x38;
	[tilespmem:$0x1D000] =	vst v63  }
.Ltmp2:
0x29: {  	_ =	swait.ge [sflag:s14], $0x400;
	(pc) =	sbr.rel .LBB2_2-.Ltmp2, $4  }
0x2a: {  	s23 =	simm.s32 $0x10000;
	[sflag:s14] =	ssyncset.done $0x0  }
0x2b: {  	s24 =	simm.s32 $0x14080;
	s25 =	simm.s32 $0x1;
	[sflag:s14] =	ssyncadd.s32 $0xFFFFFC00  }
0x2c: {  	s26 =	smov.u32 s12;
	s28 =	smov.u32 s11;
	[bflag:$0x0] =	sbarrier.arrive $0xFFFF  }
0x2d: {  	[tilespmem:s18], [sflag:$0x1] =	stream.indirect.gather [hbm4b:s4+s17], $0x80, s15, s17, $0xb8;
	[tilespmem:$0x1D000] =	vst v63  }
.LBB2_4:
0x2e: {  	p1 =	sne.s32 @!p0 s29, $0x7  }
0x2f: {  	p0 =	por p1, p0  }
0x30: {  	s31 =	simm.s32 @!p0 $0x2  }
0x31: {  	_ =	swait.ge @!p0 [sflag:s31], $0x400  }
0x32: {  	[sflag:s31] =	ssyncset.done @!p0 $0x0  }
0x33: {  	[sflag:s31] =	ssyncadd.s32 @!p0 $0xFFFFFC00  }
0x34: {  	_ =	swait.ge @!p0 [sflag:s31], $0x400  }
0x35: {  	[sflag:s31] =	ssyncset.done @!p0 $0x0  }
0x36: {  	[sflag:s31] =	ssyncadd.s32 @!p0 $0xFFFFFC00  }
.LBB2_5:
0x37: {  	s31 =	sshll.u32 s25, $0x9  }
0x38: {  	s0 =	sand.u32 $0x1000, s31;
	s31 =	sand.u32 $0xFFFFF000, s31  }
0x39: {  	s0 =	ssub.s32 s0, s31;
	s31 =	sand.u32 $0x10000, s23  }
0x3a: {  	s29 =	sshll.u32 s29, $0x7;
	s0 =	sshra.s32 s0, $0x2;
	s31 =	sshrl.u32 s31, $0x2  }
0x3b: {  	s29 =	sor.u32 s29, s30;
	s0 =	sadd.s32 s0, s24;
	s31 =	sadd.s32 $0x15000, s31  }
0x3c: {  	[tilespmem:s31], [sflag:$0x1] =	stream.indirect.gather [hbm4b:s4+s17], $0x80, s0, s17, $0xb8;
	[tilespmem:$0x1D000] =	vst v63  }
0x3d: {  	s29 =	sor.u32 $0x14800, s29;
	s31 =	sadd.s32 $0xFFFF0000, s23  }
0x3e: {  	s23 =	sadd.s32 $0x10000, s23;
	s0 =	sand.u32 $0x10000, s31;
	_ =	swait.ge [sflag:s19], $0x4000  }
0x3f: {  	p0 =	sne.s32 s23, $0x500000;
	s0 =	sshrl.u32 s0, $0x2;
	[sflag:s19] =	ssyncset.done $0x0  }
.Ltmp3:
0x40: {  	s0 =	sadd.s32 $0x15000, s0;
	[sflag:s19] =	ssyncadd.s32 $0xFFFFC000;
	(pc) =	sbr.rel @!p0 .LBB2_6-.Ltmp3, $4  }
0x41: {  	[spmem:s1] =	stream.indirect.scatter.add.f32 [tilespmem:s0], [sflag:$0x3], $0x80, s29, s17, $0xb8;
	[tilespmem:$0x1D000] =	vst v63  }
0x42: {  	_ =	swait.ge [sflag:s14], $0x4000  }
0x43: {  	s28 =	sadd.s32 $0x10, s28;
	s26 =	sadd.s32 $0x10, s26;
	[sflag:s14] =	ssyncset.done $0x0  }
0x44: {  	s25 =	sadd.s32 $0x1, s25;
	s24 =	sadd.s32 $0x80, s24;
	[sflag:s14] =	ssyncadd.s32 $0xFFFFC000  }
.LBB2_2:
0x45: {  	s30 =	sadd.s32 $0xFFFFFFFF, s25  }
0x46: {  	s29 =	sand.u32 $0x7, s30;
	p0 =	sgt.u32 s30, $0x47  }
0x47: {  	p1 =	sne.s32 @!p0 s29, $0x0  }
0x48: {  	p1 =	por p0, p1  }
.Ltmp4:
0x49: {  	_ = 	snop;
	(pc) =	sbr.rel @p1 .LBB2_4-.Ltmp4, $4  }
0x4a: {  	_ = 	snop  }
0x4b: {  	s30 =	sshrl.u32 s30, $0x3  }
0x4c: {  	s30 =	sand.u32 $0x1, s30  }
0x4d: {  	s30 =	sshll.u32 s30, $0xA  }
.Ltmp5:
0x4e: {  	(pc) =	sbr.rel .LBB2_5-.Ltmp5, $4  }
0x4f: {  	s31 =	sxor.u32 $0x14400, s30  }
0x50: {  	[tilespmem:s31], [sflag:$0x2] =	stream.linear.gather [hbm4b:s28+s3], $0x400, $0x38;
	[tilespmem:$0x1D000] =	vst v63  }
0x51: {  	s0 =	sxor.u32 $0x14C00, s30  }
0x52: {  	[tilespmem:s0], [sflag:$0x2] =	stream.linear.gather [hbm4b:s26+s3], $0x400, $0x38;
	[tilespmem:$0x1D000] =	vst v63  }
.LBB2_7:
0x53: {  	_ =	sfence.sel $0x180000  }
0x54: {  	[bflag:$0x0] =	sbarrier.arrive $0xFFFF  }
0x55: {  	_ =	strace $0x9000004A  }
0x56: {  	[bflag:$0x2] =	sbarrier.arrive $0xFFFF  }
0x57: {  	p0 =	sne.s32 s2, $0x0;
	s0 =	rddreg [dreg:$0x3]  }
0x58: {  	s0 =	sadd.s32 @!p0 $0x100000, s0  }
0x59: {  	[sflag:s0] =	ssyncadd.tile.s32 @!p0 $0x1;
	_ =	shalt  }
.Lfunc_end2:
_tile_overlayer_lowered:
.L_overlay_start_2:
0x5a: {  	(tag) =	ssettag $0x2  }
0x5b: {  	s0 =	rddreg [dreg:$0x0];
	s2 =	stileid.u32  }
0x5c: {  	s1 =	rddreg [dreg:$0x1];
	p0 =	sne.s32 s2, $0x0  }
0x5d: {  	s3 =	rddreg [dreg:$0x2];
	[bflag:$0x3] =	sbarrier.arrive $0xFFFF;
	s2 =	simm.s32 @!p0 $0x1C03  }
0x5e: {  	[timem:s3], [sflag:s2] =	dma.local @!p0 [hbm:s0], s1  }
0x5f: {  	s0 =	simm.s32 @!p0 $0x3  }
0x60: {  	_ =	swait.ge @!p0 [sflag:s0], s1  }
0x61: {  	s1 =	ssub.s32 @!p0 $0x0, s1;
	[sflag:s0] =	ssyncset.done @!p0 $0x0  }
0x62: {  	[sflag:s0] =	ssyncadd.s32 @!p0 s1  }
0x63: {  	[bflag:$0x3] =	sbarrier.arrive $0xFFFF  }
0x64: {  	_ =	shalt  }

// kernel: kernel.16.cloned.1.call-start
scs
__scs_entry_jumppad:
0x0: {  	(pc) =	sbr.rel $0x88, $3  }
0x1: {  	(tag) =	ssettag $0x0;
	lr =	simm.s32 $0x1  }
0x2: {  	[smem:$0x3F8D] =	sst lr;
	_ =	strace $0xD0000000  }
0x3: {  	_ = 	snop  }
0x4: {  	_ = 	snop  }
0x5: {  	_ = 	snop  }
0x6: {  	_ = 	snop  }
0x7: {  	_ = 	snop  }
__scs_overlays_trampoline_lowered:
0x8: {  	[smem:$0x3F9C] =	sst s0  }
0x9: {  	[smem:$0x3F9D] =	sst s1  }
0xa: {  	[smem:$0x3F9E] =	sst s2  }
0xb: {  	[smem:$0x3F9F] =	sst s3  }
0xc: {  	[smem:$0x3FA0] =	sst s4  }
0xd: {  	[smem:$0x3FA1] =	sst s5  }
0xe: {  	[smem:$0x3FA2] =	sst s6  }
0xf: {  	[smem:$0x3FA3] =	sst s7  }
0x10: {  	[smem:$0x3FA4] =	sst s8  }
0x11: {  	[smem:$0x3FA5] =	sst s9;
	s0 =	simm.s32 @!p0 $0x0  }
0x12: {  	s1 =	sld [smem:$0x3F8B];
	s0 =	simm.s32 @p0 $0x1  }
0x13: {  	[smem:$0x3FA6] =	sst s0;
	s0 =	simm.s32 @!p1 $0x0  }
0x14: {  	s2 =	sld [smem:$0x3F8A];
	s0 =	simm.s32 @p1 $0x1  }
0x15: {  	[smem:$0x3FA7] =	sst s0;
	s0 =	simm.s32 @!p2 $0x0  }
0x16: {  	s3 =	sld [smem:$0x3FDB];
	s0 =	simm.s32 @p2 $0x1  }
0x17: {  	s4 =	simm.s32 $0x1BF5;
	[smem:$0x3FA9] =	sst s0  }
0x18: {  	s0 =	sld [smem:$0x3F8C];
	_ =	swait.ge [sflag:s4], $0x0  }
0x19: {  	s7 =	sld [smem:$0x3F8D]  }
0x1a: {  	s8 =	sadd.s32 $0xFFFFE003, lr  }
0x1b: {  	s9 =	sadd.s32 $0xFFFFFEF7, lr;
	s5 =	simm.s32 $0xFFFFFFFF;
	p2 =	slt.u32 s8, $0xFFFFF086  }
0x1c: {  	p1 =	slt.u32 s9, $0xF7A;
	s5 =	simm.s32 @!p2 $0x0  }
0x1d: {  	s5 =	simm.s32 @p1 $0x1;
	p0 =	seq.s32 s7, s2  }
0x1e: {  	s7 =	smul.u32 @!p0 $0xF7A, s2;
	p2 =	seq.s32 @!p0 s5, $0x0  }
0x1f: {  	s9 =	smul.u32 $0xF7A, s1;
	s8 =	simm.s32 @!p0 $0x1BF5;
	p2 =	por !p2, p0  }
0x20: {  	[sflag:s8] =	ssyncset.s32 @!p0 $0xFFFFF086;
	s6 =	sadd.s32 @!p0 s3, s7;
	s7 =	simm.s32 @!p0 $0x108  }
0x21: {  	s3 =	sadd.s32 s3, s9;
	s6 =	sadd.s32 @!p0 $0x88, s6;
	s7 =	simm.s32 @p2 $0x1082  }
0x22: {  	[simem:s7], [sflag:s8] =	dma.local @!p0 [hbm:s6], $0xF7A  }
0x23: {  	s9 =	sor.u32 $0xD0000000, s2;
	s6 =	simm.s32 $0x108;
	_ =	swait.ge @!p0 [sflag:s8], $0x0  }
0x24: {  	s3 =	sadd.s32 $0x88, s3;
	s6 =	simm.s32 @!p1 $0x1082;
	[sflag:s4] =	ssyncset.s32 $0xFFFFF086  }
0x25: {  	[simem:s6], [sflag:s4] =	dma.local [hbm:s3], $0xF7A  }
0x26: {  	[smem:$0x3F8D] =	sst s1;
	(tag) =	ssettag s2;
	_ =	strace s9  }
0x27: {  	s1 =	sld [smem:$0x3F9D]  }
0x28: {  	s2 =	sld [smem:$0x3F9E]  }
0x29: {  	s4 =	sld [smem:$0x3FA0]  }
0x2a: {  	p0 =	seq.s32 s5, $0x0;
	s5 =	sld [smem:$0x3FA1]  }
0x2b: {  	s6 =	sld [smem:$0x3FA2]  }
0x2c: {  	s7 =	sld [smem:$0x3FA3]  }
0x2d: {  	s3 =	simm.s32 $0x108;
	s8 =	sld [smem:$0x3FA4]  }
0x2e: {  	s3 =	simm.s32 @!p0 $0x1082;
	s9 =	sld [smem:$0x3FA5]  }
0x2f: {  	lr =	sadd.s32 s0, s3;
	s0 =	sld [smem:$0x3F9C]  }
0x30: {  	s3 =	sld [smem:$0x3F9F]  }
0x31: {  	[smem:$0x3FA8] =	sst s10  }
0x32: {  	s10 =	sld [smem:$0x3FA6];
	_ =	sdelay $0x3  }
0x33: {  	p0 =	seq.s32 s10, $0x1;
	s10 =	sld [smem:$0x3FA8];
	_ =	sdelay $0x3  }
0x34: {  	[smem:$0x3FA8] =	sst s10  }
0x35: {  	s10 =	sld [smem:$0x3FA7];
	_ =	sdelay $0x3  }
0x36: {  	p1 =	seq.s32 s10, $0x1;
	s10 =	sld [smem:$0x3FA8];
	_ =	sdelay $0x3  }
0x37: {  	[smem:$0x3FA8] =	sst s10  }
0x38: {  	s10 =	sld [smem:$0x3FA9]  }
0x39: {  	_ = 	snop;
	(pc) =	sbr.ind lr, $3  }
0x3a: {  	_ = 	snop  }
0x3b: {  	_ = 	snop  }
0x3c: {  	p2 =	seq.s32 s10, $0x1;
	s10 =	sld [smem:$0x3FA8]  }
0x3d: {  	_ =	shalt  }
0x3e: {  	_ =	shalt  }
0x3f: {  	_ =	shalt  }
0x40: {  	_ =	shalt  }
0x41: {  	_ =	shalt  }
0x42: {  	_ =	shalt  }
0x43: {  	_ =	shalt  }
0x44: {  	_ =	shalt  }
0x45: {  	_ =	shalt  }
0x46: {  	_ =	shalt  }
0x47: {  	_ =	shalt  }
0x48: {  	_ =	shalt  }
0x49: {  	_ =	shalt  }
0x4a: {  	_ =	shalt  }
0x4b: {  	_ =	shalt  }
0x4c: {  	_ =	shalt  }
0x4d: {  	_ =	shalt  }
0x4e: {  	_ =	shalt  }
0x4f: {  	_ =	shalt  }
0x50: {  	_ =	shalt  }
0x51: {  	_ =	shalt  }
0x52: {  	_ =	shalt  }
0x53: {  	_ =	shalt  }
0x54: {  	_ =	shalt  }
0x55: {  	_ =	shalt  }
0x56: {  	_ =	shalt  }
0x57: {  	_ =	shalt  }
0x58: {  	_ =	shalt  }
0x59: {  	_ =	shalt  }
0x5a: {  	_ =	shalt  }
0x5b: {  	_ =	shalt  }
0x5c: {  	_ =	shalt  }
0x5d: {  	_ =	shalt  }
0x5e: {  	_ =	shalt  }
0x5f: {  	_ =	shalt  }
0x60: {  	_ =	shalt  }
0x61: {  	_ =	shalt  }
0x62: {  	_ =	shalt  }
0x63: {  	_ =	shalt  }
0x64: {  	_ =	shalt  }
0x65: {  	_ =	shalt  }
0x66: {  	_ =	shalt  }
0x67: {  	_ =	shalt  }
0x68: {  	_ =	shalt  }
0x69: {  	_ =	shalt  }
0x6a: {  	_ =	shalt  }
0x6b: {  	_ =	shalt  }
0x6c: {  	_ =	shalt  }
0x6d: {  	_ =	shalt  }
0x6e: {  	_ =	shalt  }
0x6f: {  	_ =	shalt  }
0x70: {  	_ =	shalt  }
0x71: {  	_ =	shalt  }
0x72: {  	_ =	shalt  }
0x73: {  	_ =	shalt  }
0x74: {  	_ =	shalt  }
0x75: {  	_ =	shalt  }
0x76: {  	_ =	shalt  }
0x77: {  	_ =	shalt  }
0x78: {  	_ =	shalt  }
0x79: {  	_ =	shalt  }
0x7a: {  	_ =	shalt  }
0x7b: {  	_ =	shalt  }
0x7c: {  	_ =	shalt  }
0x7d: {  	_ =	shalt  }
0x7e: {  	_ =	shalt  }
0x7f: {  	_ =	shalt  }
0x80: {  	_ =	shalt  }
0x81: {  	_ =	shalt  }
0x82: {  	_ =	shalt  }
0x83: {  	_ =	shalt  }
0x84: {  	_ =	shalt  }
0x85: {  	_ =	shalt  }
0x86: {  	_ =	shalt  }
0x87: {  	_ =	shalt  }
.Lfunc_end0:
.L_simem_size_0:
called_computation.2_lowered:
.L_overlay_start_0:
0x88: {  	s2 =	sld [smem:$0x3FD9]  }
0x89: {  	s3 =	sld [smem:$0x3FFE];
	_ =	sdelay $0x1  }
0x8a: {  	s1 =	srdreg.scid  }
0x8b: {  	s0 =	sand.u32 $0x1, s1  }
0x8c: {  	s14 =	sshll.u32 s0, $0xA;
	s2 =	sadd.s32 s3, s2  }
0x8d: {  	s2 =	sadd.s32 s2, s14  }
0x8e: {  	[smem:$0x3FB4] =	sst s2  }
0x8f: {  	_ = 	snop  }
0x90: {  	s2 =	sld [smem:$0x3FD0];
	_ =	sdelay $0x2  }
0x91: {  	s15 =	simm.s32 $0xA;
	s4 =	simm.s32 $0x10  }
0x92: {  	[smem:s4], [sflag:s15] =	dma.local [hbm:s2], $0x1  }
0x93: {  	_ =	swait.eq [sflag:s15], $0x1  }
0x94: {  	[sflag:s15] =	ssyncset.done $0x0  }
0x95: {  	[sflag:s15] =	ssyncadd.s32 $0xFFFFFFFF  }
0x96: {  	s16 =	sld [smem:$0x12];
	(tm) =	ssettm $0x1  }
0x97: {  	s17 =	sld [smem:$0x3FFB];
	_ =	sdelay $0x3  }
0x98: {  	_ =	strace s17  }
0x99: {  	s3 =	sld [smem:$0x3FFC];
	_ =	sdelay $0x3  }
0x9a: {  	_ =	strace s3  }
0x9b: {  	s3 =	sld [smem:$0x3FFD];
	_ =	sdelay $0x3  }
0x9c: {  	_ =	strace s3  }
0x9d: {  	_ =	strace $0x8FFFFFFF  }
0x9e: {  	s18 =	sld [smem:$0x3FDB];
	_ =	sdelay $0x1  }
0x9f: {  	s19 =	simm.s32 $_scs_section_size  }
0xa0: {  	s5 =	simm.s32 $_size__tile_overlayer_lowered;
	s6 =	simm.s32 $_tile_overlayer_lowered  }
0xa1: {  	s22 =	simm.s32 $0x1BFF;
	s21 =	sshll.u32 s6, $0x1;
	s3 =	sadd.s32 s19, s18  }
0xa2: {  	s7 =	simm.s32 $0x0;
	s20 =	sshll.u32 s5, $0x1;
	s5 =	sadd.s32 s21, s3  }
0xa3: {  	[timem:s7], [sflag:s22] =	dma.local [hbm:s5], s20  }
0xa4: {  	_ =	swait.ge [sflag:s22], s20  }
0xa5: {  	s4 =	ssub.s32 $0x0, s20;
	[sflag:s22] =	ssyncset.done $0x0  }
0xa6: {  	[sflag:s22] =	ssyncadd.s32 s4;
	_ =	sdelay $0x1  }
0xa7: {  	s23 =	simm.s32 $0x1B8B  }
0xa8: {  	_ =	swait.ge [sflag:s23], $0x1  }
0xa9: {  	[sflag:s23] =	ssyncset.done $0x0  }
0xaa: {  	s25 =	simm.s32 $0x1B8E;
	s24 =	sld [smem:$0x3FFE];
	[sflag:s23] =	ssyncadd.s32 $0xFFFFFFFF  }
0xab: {  	s26 =	simm.s32 $execute0_lowered;
	[smem:$0x3FD2] =	sst s25  }
0xac: {  	s5 =	sshll.u32 s26, $0x1;
	_ =	strace $0x8000004C;
	[dreg:$0x1] =	wrdreg $0xFFFFFFFF  }
0xad: {  	s28 =	simm.s32 $_size_execute0_lowered;
	s3 =	sadd.s32 s3, s5;
	[dreg:$0x0] =	wrdreg $0x0  }
0xae: {  	s5 =	sshll.u32 s28, $0x1;
	[dreg:$0x2] =	wrdreg s3  }
0xaf: {  	[dreg:$0x3] =	wrdreg s5  }
0xb0: {  	[dreg:$0x4] =	wrdreg $0xC0  }
0xb1: {  	_ =	task [dreg:s7], $0x5FFFF  }
0xb2: {  	[dreg:$0x1] =	wrdreg $0xFFFFFFFF  }
0xb3: {  	[dreg:$0x0] =	wrdreg $0x60  }
0xb4: {  	[dreg:$0x2] =	wrdreg s24  }
0xb5: {  	[dreg:$0x3] =	wrdreg s16  }
0xb6: {  	[dreg:$0x4] =	wrdreg $0x0  }
0xb7: {  	[dreg:$0x5] =	wrdreg $0x9  }
0xb8: {  	_ =	task.clear_ibuf [dreg:s7], $0x6FFFF;
	_ =	strace $0x9000004C  }
0xb9: {  	s29 =	simm.s32 $0x9;
	_ =	strace $0x8000004E  }
0xba: {  	_ =	swait.ge [sflag:s29], $0x1  }
0xbb: {  	[sflag:s29] =	ssyncadd.s32 $0xFFFFFFFF  }
0xbc: {  	_ =	strace $0x9000004E  }
0xbd: {  	_ =	sfence  }
0xbe: {  	s30 =	sld [smem:$0x0];
	_ =	sdelay $0x2  }
0xbf: {  	s31 =	sshll.u32 s1, $0xD;
	s1 =	sshrl.u32 s1, $0x2  }
0xc0: {  	s3 =	sand.u32 $0x4000, s31;
	s1 =	sadd.s32 s1, s30  }
0xc1: {  	s0 =	sor.u32 s3, s0;
	s1 =	sshll.u32 s1, $0x11  }
0xc2: {  	s0 =	sor.u32 s1, s0  }
0xc3: {  	s0 =	sadd.s32 $0x8F2B, s0  }
0xc4: {  	[sflag:s0] =	ssyncadd.remote.s32 $0x1  }
0xc5: {  	_ =	sfence.sel $0xFFFF  }
0xc6: {  	[dreg:$0x0] =	wrdreg $0xFFFFFFFF;
	(pc) =	sbr.abs _section_cstart, $3  }
0xc7: {  	[dreg:$0x1] =	wrdreg $0xFFFFFFFF  }
0xc8: {  	_ =	task.clear_ibuf [dreg:s7], $0x2FFFF;
	_ =	strace $0x9FFFFFFF  }
0xc9: {  	(tm) =	ssettm $0x7FFFFFFF  }
tec
execute0_lowered:
.L_overlay_start_1:
0x0: {  	(tag) =	ssettag $0x1  }
0x1: {  	s6 =	rddreg [dreg:$0x0]  }
0x2: {  	s10 =	rddreg [dreg:$0x1]  }
0x3: {  	s1 =	rddreg [dreg:$0x2]  }
0x4: {  	s2 =	srdreg.scid;
	s3 =	simm.s32 $0x0;
	s17 =	simm.s32 $0x80  }
0x5: {  	s18 =	simm.s32 $0x15000;
	s19 =	simm.s32 $0x1;
	s20 =	simm.s32 $0x14F80  }
0x6: {  	s21 =	simm.s32 $0x19000;
	s7 =	sand.u32 $0x1, s2;
	s2 =	stileid.u32  }
0x7: {  	s22 =	simm.s32 $0x0;
	[smem:$0x7FF] =	sst s3;
	s5 =	smul.u32 $0x140000, s7  }
0x8: {  	s4 =	sadd.s32 $0xE600, s6;
	s11 =	sadd.s32 $0x4600, s6;
	s8 =	smul.u32 $0x14000, s2  }
0x9: {  	_ =	strace $0x8000004D;
	s9 =	ssub.s32 $0x2, s7;
	s14 =	smul.u32 $0x50000, s2  }
0xa: {  	s13 =	sshll.u32 s7, $0x4;
	s28 =	sshll.u32 s2, $0x6;
	s16 =	smul.u32 $0x5000, s7  }
0xb: {  	s29 =	smul.u32 $0x500, s2;
	s12 =	sshrl.u32 s9, $0x1;
	s25 =	sor.u32 s2, s13  }
0xc: {  	s8 =	sadd.s32 s8, s5;
	s5 =	sadd.s32 $0x5E600, s6;
	s12 =	ssub.s32 s9, s12  }
0xd: {  	s26 =	sshrl.u32 s14, $0x2;
	s13 =	smul.u32 $0x500, s25;
	s30 =	sadd.s32 s16, s10  }
0xe: {  	s8 =	sshrl.u32 s8, $0x3;
	s14 =	sadd.s32 s26, s1;
	s31 =	sadd.s32 s29, s30  }
.Ltmp0:
0xf: {  	s15 =	sadd.s32 s8, s6;
	s6 =	sor.u32 $0x1C03, s28;
	(pc) =	sbr.rel .LBB2_1-.Ltmp0, $4  }
0x10: {  	s7 =	sadd.s32 s10, s13;
	s8 =	sadd.s32 s11, s13;
	s11 =	sadd.s32 s16, s11  }
0x11: {  	s10 =	smax.u32 s12, $0x1;
	s16 =	simm.s32 $0x14800;
	s9 =	sadd.s32 $0x60E00, s15  }
0x12: {  	s13 =	sadd.s32 s29, s11;
	s11 =	sadd.s32 $0x80, s31;
	s15 =	simm.s32 $0x14000  }
0x13: {  	s12 =	sadd.s32 $0x80, s13;
	s13 =	sshrl.u32 s14, $0x3;
	s14 =	simm.s32 $0x3  }
.LBB2_6:
0x14: {  	_ =	swait.ge [sflag:s19], $0x4000  }
0x15: {  	[sflag:s19] =	ssyncset.done $0x0  }
0x16: {  	[sflag:s19] =	ssyncadd.s32 $0xFFFFC000  }
0x17: {  	[spmem:s1] =	stream.indirect.scatter.add.f32 [tilespmem:s21], [sflag:$0x3], $0x80, s20, s17, $0xb8;
	[tilespmem:$0x1D000] =	vst v63  }
0x18: {  	_ =	swait.ge [sflag:s14], $0x4000  }
0x19: {  	s22 =	sadd.s32 $0x1, s22;
	[sflag:s14] =	ssyncset.done $0x0  }
0x1a: {  	p0 =	sne.s32 s22, s10;
	[sflag:s14] =	ssyncadd.s32 $0xFFFFC000  }
.Ltmp1:
0x1b: {  	[bflag:$0x0] =	sbarrier.arrive $0xFFFF;
	(pc) =	sbr.rel @!p0 .LBB2_7-.Ltmp1, $4  }
0x1c: {  	[hbm:s9], [sflag:s6] =	dma.local [spmem:s13], $0x2800  }
0x1d: {  	_ =	swait.ge [sflag:s14], $0x2800  }
0x1e: {  	[sflag:s14] =	ssyncset.done $0x0  }
0x1f: {  	[sflag:s14] =	ssyncadd.s32 $0xFFFFD800  }
.LBB2_1:
0x20: {  	[spmem:s13], [sflag:s6] =	dma.local [hbm:s5], $0x2800  }
0x21: {  	_ =	swait.ge [sflag:s14], $0x2800  }
0x22: {  	[sflag:s14] =	ssyncset.done $0x0  }
0x23: {  	[sflag:s14] =	ssyncadd.s32 $0xFFFFD800  }
0x24: {  	[tilespmem:s15], [sflag:$0x3] =	stream.linear.gather [hbm4b:s7+s3], $0x400, $0x38;
	[tilespmem:$0x1D000] =	vst v63  }
0x25: {  	_ =	swait.ge [sflag:s14], $0x400  }
0x26: {  	[sflag:s14] =	ssyncset.done $0x0  }
0x27: {  	[sflag:s14] =	ssyncadd.s32 $0xFFFFFC00  }
0x28: {  	[tilespmem:s16], [sflag:$0x3] =	stream.linear.gather [hbm4b:s8+s3], $0x400, $0x38;
	[tilespmem:$0x1D000] =	vst v63  }
.Ltmp2:
0x29: {  	_ =	swait.ge [sflag:s14], $0x400;
	(pc) =	sbr.rel .LBB2_2-.Ltmp2, $4  }
0x2a: {  	s23 =	simm.s32 $0x10000;
	[sflag:s14] =	ssyncset.done $0x0  }
0x2b: {  	s24 =	simm.s32 $0x14080;
	s25 =	simm.s32 $0x1;
	[sflag:s14] =	ssyncadd.s32 $0xFFFFFC00  }
0x2c: {  	s26 =	smov.u32 s12;
	s28 =	smov.u32 s11;
	[bflag:$0x0] =	sbarrier.arrive $0xFFFF  }
0x2d: {  	[tilespmem:s18], [sflag:$0x1] =	stream.indirect.gather [hbm4b:s4+s17], $0x80, s15, s17, $0xb8;
	[tilespmem:$0x1D000] =	vst v63  }
.LBB2_4:
0x2e: {  	p1 =	sne.s32 @!p0 s29, $0x7  }
0x2f: {  	p0 =	por p1, p0  }
0x30: {  	s31 =	simm.s32 @!p0 $0x2  }
0x31: {  	_ =	swait.ge @!p0 [sflag:s31], $0x400  }
0x32: {  	[sflag:s31] =	ssyncset.done @!p0 $0x0  }
0x33: {  	[sflag:s31] =	ssyncadd.s32 @!p0 $0xFFFFFC00  }
0x34: {  	_ =	swait.ge @!p0 [sflag:s31], $0x400  }
0x35: {  	[sflag:s31] =	ssyncset.done @!p0 $0x0  }
0x36: {  	[sflag:s31] =	ssyncadd.s32 @!p0 $0xFFFFFC00  }
.LBB2_5:
0x37: {  	s31 =	sshll.u32 s25, $0x9  }
0x38: {  	s0 =	sand.u32 $0x1000, s31;
	s31 =	sand.u32 $0xFFFFF000, s31  }
0x39: {  	s0 =	ssub.s32 s0, s31;
	s31 =	sand.u32 $0x10000, s23  }
0x3a: {  	s29 =	sshll.u32 s29, $0x7;
	s0 =	sshra.s32 s0, $0x2;
	s31 =	sshrl.u32 s31, $0x2  }
0x3b: {  	s29 =	sor.u32 s29, s30;
	s0 =	sadd.s32 s0, s24;
	s31 =	sadd.s32 $0x15000, s31  }
0x3c: {  	[tilespmem:s31], [sflag:$0x1] =	stream.indirect.gather [hbm4b:s4+s17], $0x80, s0, s17, $0xb8;
	[tilespmem:$0x1D000] =	vst v63  }
0x3d: {  	s29 =	sor.u32 $0x14800, s29;
	s31 =	sadd.s32 $0xFFFF0000, s23  }
0x3e: {  	s23 =	sadd.s32 $0x10000, s23;
	s0 =	sand.u32 $0x10000, s31;
	_ =	swait.ge [sflag:s19], $0x4000  }
0x3f: {  	p0 =	sne.s32 s23, $0x500000;
	s0 =	sshrl.u32 s0, $0x2;
	[sflag:s19] =	ssyncset.done $0x0  }
.Ltmp3:
0x40: {  	s0 =	sadd.s32 $0x15000, s0;
	[sflag:s19] =	ssyncadd.s32 $0xFFFFC000;
	(pc) =	sbr.rel @!p0 .LBB2_6-.Ltmp3, $4  }
0x41: {  	[spmem:s1] =	stream.indirect.scatter.add.f32 [tilespmem:s0], [sflag:$0x3], $0x80, s29, s17, $0xb8;
	[tilespmem:$0x1D000] =	vst v63  }
0x42: {  	_ =	swait.ge [sflag:s14], $0x4000  }
0x43: {  	s28 =	sadd.s32 $0x10, s28;
	s26 =	sadd.s32 $0x10, s26;
	[sflag:s14] =	ssyncset.done $0x0  }
0x44: {  	s25 =	sadd.s32 $0x1, s25;
	s24 =	sadd.s32 $0x80, s24;
	[sflag:s14] =	ssyncadd.s32 $0xFFFFC000  }
.LBB2_2:
0x45: {  	s30 =	sadd.s32 $0xFFFFFFFF, s25  }
0x46: {  	s29 =	sand.u32 $0x7, s30;
	p0 =	sgt.u32 s30, $0x47  }
0x47: {  	p1 =	sne.s32 @!p0 s29, $0x0  }
0x48: {  	p1 =	por p0, p1  }
.Ltmp4:
0x49: {  	_ = 	snop;
	(pc) =	sbr.rel @p1 .LBB2_4-.Ltmp4, $4  }
0x4a: {  	_ = 	snop  }
0x4b: {  	s30 =	sshrl.u32 s30, $0x3  }
0x4c: {  	s30 =	sand.u32 $0x1, s30  }
0x4d: {  	s30 =	sshll.u32 s30, $0xA  }
.Ltmp5:
0x4e: {  	(pc) =	sbr.rel .LBB2_5-.Ltmp5, $4  }
0x4f: {  	s31 =	sxor.u32 $0x14400, s30  }
0x50: {  	[tilespmem:s31], [sflag:$0x2] =	stream.linear.gather [hbm4b:s28+s3], $0x400, $0x38;
	[tilespmem:$0x1D000] =	vst v63  }
0x51: {  	s0 =	sxor.u32 $0x14C00, s30  }
0x52: {  	[tilespmem:s0], [sflag:$0x2] =	stream.linear.gather [hbm4b:s26+s3], $0x400, $0x38;
	[tilespmem:$0x1D000] =	vst v63  }
.LBB2_7:
0x53: {  	_ =	sfence.sel $0x180000  }
0x54: {  	[bflag:$0x0] =	sbarrier.arrive $0xFFFF  }
0x55: {  	_ =	strace $0x9000004D  }
0x56: {  	[bflag:$0x2] =	sbarrier.arrive $0xFFFF  }
0x57: {  	p0 =	sne.s32 s2, $0x0;
	s0 =	rddreg [dreg:$0x3]  }
0x58: {  	s0 =	sadd.s32 @!p0 $0x100000, s0  }
0x59: {  	[sflag:s0] =	ssyncadd.tile.s32 @!p0 $0x1;
	_ =	shalt  }
.Lfunc_end2:
_tile_overlayer_lowered:
.L_overlay_start_2:
0x5a: {  	(tag) =	ssettag $0x2  }
0x5b: {  	s0 =	rddreg [dreg:$0x0];
	s2 =	stileid.u32  }
0x5c: {  	s1 =	rddreg [dreg:$0x1];
	p0 =	sne.s32 s2, $0x0  }
0x5d: {  	s3 =	rddreg [dreg:$0x2];
	[bflag:$0x3] =	sbarrier.arrive $0xFFFF;
	s2 =	simm.s32 @!p0 $0x1C03  }
0x5e: {  	[timem:s3], [sflag:s2] =	dma.local @!p0 [hbm:s0], s1  }
0x5f: {  	s0 =	simm.s32 @!p0 $0x3  }
0x60: {  	_ =	swait.ge @!p0 [sflag:s0], s1  }
0x61: {  	s1 =	ssub.s32 @!p0 $0x0, s1;
	[sflag:s0] =	ssyncset.done @!p0 $0x0  }
0x62: {  	[sflag:s0] =	ssyncadd.s32 @!p0 s1  }
0x63: {  	[bflag:$0x3] =	sbarrier.arrive $0xFFFF  }
0x64: {  	_ =	shalt  }

</sc_bundles>
